<compile_context>
chip_gen: v7x
topology: tpu7x:2x2x1
jax: 0.10.2.dev20260603
libtpu: 0.0.44.dev20260713+nightly
codegen_flags: <defaults>
</compile_context>

<pallas_src>
import functools

import jax
import jax.numpy as jnp
from jax import lax
from jax.experimental import pallas as pl
from jax.experimental.pallas import tpu as pltpu
from jax.experimental.pallas import tpu_sc as plsc

EMB = 256
NCODES = 8192
NTOK = 8192
TB = 4096
KC = 1024
TB3 = 1024


_SEG_BOUNDS = (2816, 5632)
_SLICE = 256
_NSEG = 3


def _bf16_round(v):
    return v.astype(jnp.bfloat16).astype(jnp.float32)


_BOUNDARY_KC = (_SEG_BOUNDS[0] // KC, _SEG_BOUNDS[1] // KC)


def _dist_argmin_body(xb, eb, x2b, e2b, ind_ref, minval, minidx):
    kc = pl.program_id(1)
    nkc = pl.num_programs(1)

    @pl.when(kc == 0)
    def _init():
        minval[...] = jnp.full(minval.shape, jnp.inf, minval.dtype)
        minidx[...] = jnp.zeros(minidx.shape, minidx.dtype)

    s = lax.dot_general(xb[...], eb[...], (((1,), (0,)), ((), ())),
                        preferred_element_type=jnp.float32)
    d = (x2b[...] + s) + e2b[...]
    is_boundary = (kc == _BOUNDARY_KC[0]) | (kc == _BOUNDARY_KC[1])

    @pl.when(jnp.logical_not(is_boundary))
    def _fast():
        bmin = jnp.min(d, axis=1, keepdims=True)
        ii = lax.broadcasted_iota(jnp.int32, d.shape, 1)
        bidx = jnp.min(jnp.where(d == bmin, ii, NCODES), axis=1, keepdims=True)
        bidx = bidx + kc * KC
        upd = bmin < minval[...]
        minval[...] = jnp.where(upd, bmin, minval[...])
        minidx[...] = jnp.where(upd, bidx, minidx[...])

    @pl.when(is_boundary)
    def _slow():
        ii = lax.broadcasted_iota(jnp.int32, (TB, _SLICE), 1)
        for sl in range(KC // _SLICE):
            ds = d[:, sl * _SLICE:(sl + 1) * _SLICE]
            bmin = jnp.min(ds, axis=1, keepdims=True)
            bidx = jnp.min(jnp.where(ds == bmin, ii, NCODES), axis=1,
                           keepdims=True)
            bidx = bidx + kc * KC + sl * _SLICE
            upd = bmin < minval[...]
            minval[...] = jnp.where(upd, bmin, minval[...])
            minidx[...] = jnp.where(upd, bidx, minidx[...])
            end = sl * _SLICE + _SLICE
            at_boundary = ((kc * KC + end == _SEG_BOUNDS[0]) |
                           (kc * KC + end == _SEG_BOUNDS[1]))

            @pl.when(at_boundary)
            def _round():
                minval[...] = _bf16_round(minval[...])

    @pl.when(kc == nkc - 1)
    def _fin():
        ind_ref[...] = minidx[...]


def _make_dist_argmin(interpret=False):
    return pl.pallas_call(
        _dist_argmin_body,
        grid=(NTOK // TB, NCODES // KC),
        in_specs=[
            pl.BlockSpec((TB, EMB), lambda t, k: (t, 0)),
            pl.BlockSpec((EMB, KC), lambda t, k: (0, k)),
            pl.BlockSpec((TB, 1), lambda t, k: (t, 0)),
            pl.BlockSpec((1, KC), lambda t, k: (0, k)),
        ],
        out_specs=pl.BlockSpec((TB, 1), lambda t, k: (t, 0)),
        out_shape=jax.ShapeDtypeStruct((NTOK, 1), jnp.int32),
        scratch_shapes=[
            pltpu.VMEM((TB, 1), jnp.float32),
            pltpu.VMEM((TB, 1), jnp.int32),
        ],
        interpret=interpret,
    )


def _sc_gather(table, idx):
    info = plsc.get_sparse_core_info()
    nc, ns = info.num_cores, info.num_subcores
    nw = nc * ns
    b_per_w = NTOK // nw
    chunk = 128
    nchunk = b_per_w // chunk
    mesh = plsc.VectorSubcoreMesh(core_axis_name="c", subcore_axis_name="s")

    @functools.partial(
        pl.kernel,
        mesh=mesh,
        out_type=jax.ShapeDtypeStruct((NTOK, EMB), jnp.float32),
        scratch_types=[
            pltpu.VMEM((b_per_w,), jnp.int32),
            pltpu.VMEM((b_per_w, EMB), jnp.float32),
            pltpu.SemaphoreType.DMA,
        ],
    )
    def k(table_hbm, idx_hbm, out_hbm, idx_v, rows_v, sem):
        wid = lax.axis_index("s") * nc + lax.axis_index("c")
        base = wid * b_per_w
        pltpu.sync_copy(idx_hbm.at[pl.ds(base, b_per_w)], idx_v)
        copies = []
        for j in range(nchunk):
            copies.append(pltpu.async_copy(
                table_hbm.at[idx_v.at[pl.ds(j * chunk, chunk)]],
                rows_v.at[pl.ds(j * chunk, chunk)],
                sem,
            ))
        for c in copies:
            c.wait()
        pltpu.sync_copy(rows_v, out_hbm.at[pl.ds(base, b_per_w)])

    return k(table, idx)


def _rot_body(x_ref, q_ref, qd_ref, qo_ref):
    e = x_ref[0]
    q = jnp.transpose(q_ref[0], (1, 0))
    e_norm = jnp.sqrt(jnp.sum(e * e, axis=0, keepdims=True)) + 1e-06
    q_norm = jnp.sqrt(jnp.sum(q * q, axis=0, keepdims=True)) + 1e-06
    e_hat = e / e_norm
    q_hat = q / q_norm
    lam = q_norm / e_norm
    r = e_hat + q_hat
    r = r / jnp.sqrt(jnp.sum(r * r, axis=0, keepdims=True))
    r_dot_e = jnp.sum(r * e, axis=0, keepdims=True)
    eh_dot_e = jnp.sum(e_hat * e, axis=0, keepdims=True)
    qd_ref[0] = lam * (e - 2.0 * r * r_dot_e + 2.0 * q_hat * eh_dot_e)
    qo_ref[0] = q


def _make_rotate(interpret=False):
    b, hw = 8, 1024
    return pl.pallas_call(
        _rot_body,
        grid=(b, hw // TB3),
        in_specs=[
            pl.BlockSpec((1, EMB, TB3), lambda i, t: (i, 0, t)),
            pl.BlockSpec((1, TB3, EMB), lambda i, t: (i, t, 0)),
        ],
        out_specs=[
            pl.BlockSpec((1, EMB, TB3), lambda i, t: (i, 0, t)),
            pl.BlockSpec((1, EMB, TB3), lambda i, t: (i, 0, t)),
        ],
        out_shape=[
            jax.ShapeDtypeStruct((b, EMB, hw), jnp.float32),
            jax.ShapeDtypeStruct((b, EMB, hw), jnp.float32),
        ],
        interpret=interpret,
    )


def kernel(x, e_i_ts):
    B, C, H, W = x.shape
    xm2 = -2.0 * jnp.transpose(x, (0, 2, 3, 1)).reshape(-1, C)
    x2 = 0.25 * (xm2 ** 2).sum(axis=1, keepdims=True)
    e2 = (e_i_ts ** 2).sum(axis=0, keepdims=True)
    ind_col = _make_dist_argmin()(xm2, e_i_ts, x2, e2)
    ind_flat = ind_col.reshape(-1)
    q_tok = _sc_gather(e_i_ts.T, ind_flat)
    x3 = x.reshape(B, C, H * W)
    qt = q_tok.reshape(B, H * W, C)
    qd3, q3 = _make_rotate()(x3, qt)
    return (qd3.reshape(B, C, H, W), q3.reshape(B, C, H, W),
            ind_flat.reshape(B, H, W))

# --- scband reference (transcript-rebuilt; emitter-appended) ---
"""Pipeline reference for scband-vector-quantizer-27754078666910 (READ-ONLY COPY).

The authoritative reference and input builder live on the scoring server;
editing this copy changes nothing except your own understanding.
"""

import jax, jax.numpy as jnp
import numpy as np

EMBEDDING_DIM = 256
NUM_EMBEDDINGS = 8192
EMBEDDING_SCALE = 1.0


def _l2norm(t, axis=-1):
    return jnp.sqrt(jnp.sum(t * t, axis=axis, keepdims=True))


def rotation_trick(e, q):
    sg = jax.lax.stop_gradient
    e_norm = sg(_l2norm(e)) + 1e-06
    q_norm = sg(_l2norm(q)) + 1e-06
    e_hat = sg(e / e_norm)
    q_hat = sg(q / q_norm)
    lmbda = q_norm / e_norm
    r = e_hat + q_hat
    r = r / _l2norm(r)
    r_rT = r[..., :, None] * r[..., None, :]
    q_hat_e_hatT = q_hat[..., :, None] * e_hat[..., None, :]
    e_un = e[..., :, None]
    q_result = lmbda * jnp.squeeze(e_un - 2.0 * (r_rT @ e_un) + 2.0 * (q_hat_e_hatT @ e_un), -1)
    return q_result


def setup_inputs(seed: int = 0) -> dict:
    key = jax.random.key(seed)
    k1, k2 = jax.random.split(key)
    x = jax.random.normal(k1, (8, 256, 32, 32), dtype=jnp.float32)
    # codebook buffer e_i_ts: shape (embedding_dim, num_embeddings),
    # initialized as F.normalize(rand, dim=1) * embedding_scale
    t = jax.random.uniform(k2, (EMBEDDING_DIM, NUM_EMBEDDINGS), dtype=jnp.float32)
    denom = jnp.clip(_l2norm(t, axis=1), 1e-12, None)
    e_i_ts = (t / denom) * EMBEDDING_SCALE
    return {"x": x, "e_i_ts": e_i_ts}


def reference(x, e_i_ts):
    B, C, H, W = x.shape
    # permute to (batch, dims..., emb)
    x_permute = jnp.transpose(x, (0, 2, 3, 1))
    flat_x = x_permute.reshape(-1, C)
    distances = (flat_x ** 2).sum(axis=1, keepdims=True) - 2.0 * (flat_x @ e_i_ts) + (e_i_ts ** 2).sum(axis=0, keepdims=True)
    encoding_indices = jnp.argmin(distances, axis=1)
    ind = encoding_indices.reshape(B, H, W)
    quantized_x = jnp.take(e_i_ts.T, ind, axis=0)  # (B, H, W, C)
    quantized_x_d = rotation_trick(x_permute, quantized_x)
    perm = (0, 3, 1, 2)
    quantized_x_out = jnp.transpose(quantized_x, perm)
    quantized_x_d_out = jnp.transpose(quantized_x_d, perm)
    return (quantized_x_d_out, quantized_x_out, ind)

if __name__ == "__main__":
    import jax
    _d = setup_inputs()
    print(jax.jit(kernel)(*tuple(_d.values())))

</pallas_src>

<mosaic_0001>
#map = affine_map<(d0, d1) -> (0, 0)>
#map1 = affine_map<(d0, d1) -> (0)>
module attributes {stable_mosaic.version = 14 : i64} {
  func.func @k(%arg0: i32, %arg1: i32, %arg2: memref<8192x256xf32, #tpu.memory_space<hbm>>, %arg3: memref<8192xi32, #tpu.memory_space<hbm>>, %arg4: memref<8192x256xf32, #tpu.memory_space<hbm>>, %arg5: memref<256xi32, #tpu.memory_space<vmem>>, %arg6: memref<256x256xf32, #tpu.memory_space<vmem>>, %arg7: memref<!tpu.dma_semaphore, #tpu.memory_space<semaphore_mem>>) attributes {dimension_semantics = [#tpu.dimension_semantics<core_parallel>, #tpu.dimension_semantics<subcore_parallel>], iteration_bounds = array<i64: 2, 16>, scalar_prefetch = 0 : i64, scratch_operands = 3 : i64, tpu.core_type = #tpu.core_type<sc_vector_subcore>, window_params = [{transform_indices = #map}, {transform_indices = #map1}, {transform_indices = #map}]} {
    %mul3A = arith.constant 2 : i32
    %mul3A_0 = arith.muli %arg1, %mul3A : i32
    %add3A = arith.addi %mul3A_0, %arg0 : i32
    %mul3A_1 = arith.constant 256 : i32
    %mul3A_2 = arith.muli %add3A, %mul3A_1 : i32
    "tpu.region"() ({
      %run_scoped3A = tpu.sem_alloc : memref<!tpu.dma_semaphore, #tpu.memory_space<semaphore_mem>>
      %dma_start3A_33 = tpu.memref_slice %arg3[%mul3A_2] : memref<8192xi32, #tpu.memory_space<hbm>> -> memref<256xi32, #tpu.memory_space<hbm>>
      %dma_start3A_34 = tpu.memref_slice %arg3[%mul3A_2] : memref<8192xi32, #tpu.memory_space<hbm>> -> memref<256xi32, #tpu.memory_space<hbm>>
      tpu.enqueue_dma source(%dma_start3A_34 : memref<256xi32, #tpu.memory_space<hbm>>) target(%arg5 : memref<256xi32, #tpu.memory_space<vmem>>) target_semaphore(%run_scoped3A : memref<!tpu.dma_semaphore, #tpu.memory_space<semaphore_mem>>)
      %dma_wait3A_35 = tpu.memref_slice %arg3[%mul3A_2] : memref<8192xi32, #tpu.memory_space<hbm>> -> memref<256xi32, #tpu.memory_space<hbm>>
      %dma_wait3A_36 = tpu.memref_slice %arg3[%mul3A_2] : memref<8192xi32, #tpu.memory_space<hbm>> -> memref<256xi32, #tpu.memory_space<hbm>>
      tpu.wait_dma2 semaphore(%run_scoped3A : memref<!tpu.dma_semaphore, #tpu.memory_space<semaphore_mem>>) src(%dma_wait3A_36 : memref<256xi32, #tpu.memory_space<hbm>>) dst(%arg5 : memref<256xi32, #tpu.memory_space<vmem>>)
      tpu.yield
    }) : () -> ()
    %dma_start3A = arith.constant 0 : i32
    %dma_start3A_3 = arith.constant 0 : i32
    %dma_start3A_4 = tpu.memref_slice %arg6[%dma_start3A, %dma_start3A_3] : memref<256x256xf32, #tpu.memory_space<vmem>> -> memref<128x256xf32, #tpu.memory_space<vmem>>
    %dma_start3A_5 = arith.constant 0 : i32
    %dma_start3A_6 = tpu.memref_slice %arg5[%dma_start3A_5] : memref<256xi32, #tpu.memory_space<vmem>> -> memref<128xi32, #tpu.memory_space<vmem>>
    %dma_start3A_7 = arith.constant 0 : i32
    %dma_start3A_8 = arith.constant 0 : i32
    %dma_start3A_9 = tpu.memref_slice %arg2[%dma_start3A_7, %dma_start3A_8] : memref<8192x256xf32, #tpu.memory_space<hbm>> -> memref<8192x256xf32, #tpu.memory_space<hbm>>
    tpu.enqueue_indirect_dma source(%dma_start3A_9 : memref<8192x256xf32, #tpu.memory_space<hbm>>) target(%dma_start3A_4 : memref<128x256xf32, #tpu.memory_space<vmem>>) offsets(%dma_start3A_6 : memref<128xi32, #tpu.memory_space<vmem>>) semaphore(%arg7 : memref<!tpu.dma_semaphore, #tpu.memory_space<semaphore_mem>>)
    %dma_start3A_10 = arith.constant 128 : i32
    %dma_start3A_11 = arith.constant 0 : i32
    %dma_start3A_12 = tpu.memref_slice %arg6[%dma_start3A_10, %dma_start3A_11] : memref<256x256xf32, #tpu.memory_space<vmem>> -> memref<128x256xf32, #tpu.memory_space<vmem>>
    %dma_start3A_13 = arith.constant 128 : i32
    %dma_start3A_14 = tpu.memref_slice %arg5[%dma_start3A_13] : memref<256xi32, #tpu.memory_space<vmem>> -> memref<128xi32, #tpu.memory_space<vmem>>
    %dma_start3A_15 = arith.constant 0 : i32
    %dma_start3A_16 = arith.constant 0 : i32
    %dma_start3A_17 = tpu.memref_slice %arg2[%dma_start3A_15, %dma_start3A_16] : memref<8192x256xf32, #tpu.memory_space<hbm>> -> memref<8192x256xf32, #tpu.memory_space<hbm>>
    tpu.enqueue_indirect_dma source(%dma_start3A_17 : memref<8192x256xf32, #tpu.memory_space<hbm>>) target(%dma_start3A_12 : memref<128x256xf32, #tpu.memory_space<vmem>>) offsets(%dma_start3A_14 : memref<128xi32, #tpu.memory_space<vmem>>) semaphore(%arg7 : memref<!tpu.dma_semaphore, #tpu.memory_space<semaphore_mem>>)
    %dma_wait3A = arith.constant 0 : i32
    %dma_wait3A_18 = arith.constant 0 : i32
    %dma_wait3A_19 = tpu.memref_slice %arg6[%dma_wait3A, %dma_wait3A_18] : memref<256x256xf32, #tpu.memory_space<vmem>> -> memref<128x256xf32, #tpu.memory_space<vmem>>
    %dma_wait3A_20 = arith.constant 0 : i32
    %dma_wait3A_21 = tpu.memref_slice %arg5[%dma_wait3A_20] : memref<256xi32, #tpu.memory_space<vmem>> -> memref<128xi32, #tpu.memory_space<vmem>>
    %dma_wait3A_22 = arith.constant 0 : i32
    %dma_wait3A_23 = arith.constant 0 : i32
    %dma_wait3A_24 = tpu.memref_slice %arg2[%dma_wait3A_22, %dma_wait3A_23] : memref<8192x256xf32, #tpu.memory_space<hbm>> -> memref<8192x256xf32, #tpu.memory_space<hbm>>
    tpu.wait_indirect_dma semaphore(%arg7 : memref<!tpu.dma_semaphore, #tpu.memory_space<semaphore_mem>>) src(%dma_wait3A_24 : memref<8192x256xf32, #tpu.memory_space<hbm>>) dst(%dma_wait3A_19 : memref<128x256xf32, #tpu.memory_space<vmem>>)
    %dma_wait3A_25 = arith.constant 128 : i32
    %dma_wait3A_26 = arith.constant 0 : i32
    %dma_wait3A_27 = tpu.memref_slice %arg6[%dma_wait3A_25, %dma_wait3A_26] : memref<256x256xf32, #tpu.memory_space<vmem>> -> memref<128x256xf32, #tpu.memory_space<vmem>>
    %dma_wait3A_28 = arith.constant 128 : i32
    %dma_wait3A_29 = tpu.memref_slice %arg5[%dma_wait3A_28] : memref<256xi32, #tpu.memory_space<vmem>> -> memref<128xi32, #tpu.memory_space<vmem>>
    %dma_wait3A_30 = arith.constant 0 : i32
    %dma_wait3A_31 = arith.constant 0 : i32
    %dma_wait3A_32 = tpu.memref_slice %arg2[%dma_wait3A_30, %dma_wait3A_31] : memref<8192x256xf32, #tpu.memory_space<hbm>> -> memref<8192x256xf32, #tpu.memory_space<hbm>>
    tpu.wait_indirect_dma semaphore(%arg7 : memref<!tpu.dma_semaphore, #tpu.memory_space<semaphore_mem>>) src(%dma_wait3A_32 : memref<8192x256xf32, #tpu.memory_space<hbm>>) dst(%dma_wait3A_27 : memref<128x256xf32, #tpu.memory_space<vmem>>)
    "tpu.region"() ({
      %run_scoped3A = tpu.sem_alloc : memref<!tpu.dma_semaphore, #tpu.memory_space<semaphore_mem>>
      %dma_start3A_33 = arith.constant 0 : i32
      %dma_start3A_34 = tpu.memref_slice %arg4[%mul3A_2, %dma_start3A_33] : memref<8192x256xf32, #tpu.memory_space<hbm>> -> memref<256x256xf32, #tpu.memory_space<hbm>>
      %dma_start3A_35 = arith.constant 0 : i32
      %dma_start3A_36 = tpu.memref_slice %arg4[%mul3A_2, %dma_start3A_35] : memref<8192x256xf32, #tpu.memory_space<hbm>> -> memref<256x256xf32, #tpu.memory_space<hbm>>
      tpu.enqueue_dma source(%arg6 : memref<256x256xf32, #tpu.memory_space<vmem>>) target(%dma_start3A_36 : memref<256x256xf32, #tpu.memory_space<hbm>>) target_semaphore(%run_scoped3A : memref<!tpu.dma_semaphore, #tpu.memory_space<semaphore_mem>>)
      %dma_wait3A_37 = arith.constant 0 : i32
      %dma_wait3A_38 = tpu.memref_slice %arg4[%mul3A_2, %dma_wait3A_37] : memref<8192x256xf32, #tpu.memory_space<hbm>> -> memref<256x256xf32, #tpu.memory_space<hbm>>
      %dma_wait3A_39 = arith.constant 0 : i32
      %dma_wait3A_40 = tpu.memref_slice %arg4[%mul3A_2, %dma_wait3A_39] : memref<8192x256xf32, #tpu.memory_space<hbm>> -> memref<256x256xf32, #tpu.memory_space<hbm>>
      tpu.wait_dma2 semaphore(%run_scoped3A : memref<!tpu.dma_semaphore, #tpu.memory_space<semaphore_mem>>) src(%arg6 : memref<256x256xf32, #tpu.memory_space<vmem>>) dst(%dma_wait3A_40 : memref<256x256xf32, #tpu.memory_space<hbm>>)
      tpu.yield
    }) : () -> ()
    return
  }
}

module attributes {stable_mosaic.version = 14 : i64} {
  func.func @_dist_argmin_body(%arg0: i32, %arg1: i32, %arg2: memref<4096x256xf32, #tpu.memory_space<vmem>>, %arg3: memref<256x1024xf32, #tpu.memory_space<vmem>>, %arg4: memref<4096x1xf32, #tpu.memory_space<vmem>>, %arg5: memref<1x1024xf32, #tpu.memory_space<vmem>>, %arg6: memref<4096x1xi32, #tpu.memory_space<vmem>>, %arg7: memref<4096x1xf32, #tpu.memory_space<vmem>>, %arg8: memref<4096x1xi32, #tpu.memory_space<vmem>>) attributes {dimension_semantics = [#tpu.dimension_semantics<arbitrary>, #tpu.dimension_semantics<arbitrary>], iteration_bounds = array<i64: 2, 8>, scalar_prefetch = 0 : i64, scratch_operands = 2 : i64, tpu.core_type = #tpu.core_type<tc>, window_params = [{transform_indices = @transform_0, window_bounds = array<i64: 4096, 256>}, {transform_indices = @transform_1, window_bounds = array<i64: 256, 1024>}, {transform_indices = @transform_2, window_bounds = array<i64: 4096, 1>}, {transform_indices = @transform_3, window_bounds = array<i64: 1, 1024>}, {transform_indices = @transform_4, window_bounds = array<i64: 4096, 1>}]} {
    %eq3A = arith.constant 0 : i32
    %eq3A_0 = arith.cmpi eq, %arg1, %eq3A : i32
    %convert_element_type3A = arith.extui %eq3A_0 : i1 to i32
    %cond3A = arith.constant 0 : i32
    %cond3A_1 = arith.cmpi ne, %convert_element_type3A, %cond3A : i32
    scf.if %cond3A_1 {
      %broadcast_in_dim3A = arith.constant 0x7F800000 : f32
      %broadcast_in_dim3A_33 = vector.broadcast %broadcast_in_dim3A : f32 to vector<4096x1xf32>
      %swap3A = arith.constant 0 : index
      %swap3A_34 = arith.constant 0 : index
      %swap3A_35 = vector.load %arg7[%swap3A, %swap3A_34] : memref<4096x1xf32, #tpu.memory_space<vmem>>, vector<4096x1xf32>
      tpu.vector_store %arg7[%swap3A, %swap3A_34], %broadcast_in_dim3A_33 {strides = array<i32>} : memref<4096x1xf32, #tpu.memory_space<vmem>>, vector<4096x1xf32>,
      %broadcast_in_dim3A_36 = arith.constant 0 : i32
      %broadcast_in_dim3A_37 = vector.broadcast %broadcast_in_dim3A_36 : i32 to vector<4096x1xi32>
      %swap3A_38 = arith.constant 0 : index
      %swap3A_39 = arith.constant 0 : index
      %swap3A_40 = vector.load %arg8[%swap3A_38, %swap3A_39] : memref<4096x1xi32, #tpu.memory_space<vmem>>, vector<4096x1xi32>
      tpu.vector_store %arg8[%swap3A_38, %swap3A_39], %broadcast_in_dim3A_37 {strides = array<i32>} : memref<4096x1xi32, #tpu.memory_space<vmem>>, vector<4096x1xi32>,
    } else {
    }
    %get3A = arith.constant 0 : index
    %get3A_2 = arith.constant 0 : index
    %get3A_3 = vector.load %arg2[%get3A, %get3A_2] : memref<4096x256xf32, #tpu.memory_space<vmem>>, vector<4096x256xf32>
    %get3A_4 = arith.constant 0 : index
    %get3A_5 = arith.constant 0 : index
    %get3A_6 = vector.load %arg3[%get3A_4, %get3A_5] : memref<256x1024xf32, #tpu.memory_space<vmem>>, vector<256x1024xf32>
    %dot_general3A = arith.constant dense<0.000000e+00> : vector<4096x1024xf32>
    %dot_general3A_7 = tpu.matmul %get3A_3, %get3A_6, %dot_general3A {dimension_numbers = #tpu.dot_dimension_numbers<[1], [0], [0], [1], [0, 0, 1, 1], [], []>, transpose_lhs_hint = false} : vector<4096x256xf32>, vector<256x1024xf32>, vector<4096x1024xf32> -> vector<4096x1024xf32>
    %get3A_8 = arith.constant 0 : index
    %get3A_9 = arith.constant 0 : index
    %get3A_10 = vector.load %arg4[%get3A_8, %get3A_9] : memref<4096x1xf32, #tpu.memory_space<vmem>>, vector<4096x1xf32>
    %add3A = vector.broadcast %get3A_10 : vector<4096x1xf32> to vector<4096x1024xf32>
    %add3A_11 = arith.addf %add3A, %dot_general3A_7 : vector<4096x1024xf32>
    %get3A_12 = arith.constant 0 : index
    %get3A_13 = arith.constant 0 : index
    %get3A_14 = vector.load %arg5[%get3A_12, %get3A_13] : memref<1x1024xf32, #tpu.memory_space<vmem>>, vector<1x1024xf32>
    %add3A_15 = vector.broadcast %get3A_14 : vector<1x1024xf32> to vector<4096x1024xf32>
    %add3A_16 = arith.addf %add3A_11, %add3A_15 : vector<4096x1024xf32>
    %eq3A_17 = arith.constant 2 : i32
    %eq3A_18 = arith.cmpi eq, %arg1, %eq3A_17 : i32
    %eq3A_19 = arith.constant 5 : i32
    %eq3A_20 = arith.cmpi eq, %arg1, %eq3A_19 : i32
    %or3A = arith.ori %eq3A_18, %eq3A_20 : i1
    %not3A = arith.constant true
    %not3A_21 = arith.xori %or3A, %not3A : i1
    %convert_element_type3A_22 = arith.extui %not3A_21 : i1 to i32
    %cond3A_23 = arith.constant 0 : i32
    %cond3A_24 = arith.cmpi ne, %convert_element_type3A_22, %cond3A_23 : i32
    scf.if %cond3A_24 {
      %reduce_min3A = arith.constant dense<0x7F800000> : vector<4096xf32>
      %reduce_min3A_33 = vector.multi_reduction <minimumf>, %add3A_16, %reduce_min3A [1] : vector<4096x1024xf32> to vector<4096xf32>
      %broadcast_in_dim3A = vector.shape_cast %reduce_min3A_33 : vector<4096xf32> to vector<4096x1xf32>
      %iota3A = tpu.iota {dimensions = array<i32: 1>} : vector<4096x1024xi32>
      %eq3A_34 = vector.broadcast %broadcast_in_dim3A : vector<4096x1xf32> to vector<4096x1024xf32>
      %eq3A_35 = arith.cmpf oeq, %add3A_16, %eq3A_34 : vector<4096x1024xf32>
      %jit3A = arith.constant 8192 : i32
      %broadcast_in_dim3A_36 = vector.broadcast %jit3A : i32 to vector<4096x1024xi32>
      %select_n3A = arith.select %eq3A_35, %iota3A, %broadcast_in_dim3A_36 : vector<4096x1024xi1>, vector<4096x1024xi32>
      %reduce_min3A_37 = arith.constant dense<2147483647> : vector<4096xi32>
      %reduce_min3A_38 = vector.multi_reduction <minsi>, %select_n3A, %reduce_min3A_37 [1] : vector<4096x1024xi32> to vector<4096xi32>
      %broadcast_in_dim3A_39 = vector.shape_cast %reduce_min3A_38 : vector<4096xi32> to vector<4096x1xi32>
      %mul3A = arith.constant 1024 : i32
      %mul3A_40 = arith.muli %arg1, %mul3A : i32
      %add3A_41 = vector.broadcast %mul3A_40 : i32 to vector<4096x1xi32>
      %add3A_42 = arith.addi %broadcast_in_dim3A_39, %add3A_41 : vector<4096x1xi32>
      %get3A_43 = arith.constant 0 : index
      %get3A_44 = arith.constant 0 : index
      %get3A_45 = vector.load %arg7[%get3A_43, %get3A_44] : memref<4096x1xf32, #tpu.memory_space<vmem>>, vector<4096x1xf32>
      %lt3A = arith.cmpf olt, %broadcast_in_dim3A, %get3A_45 : vector<4096x1xf32>
      %get3A_46 = arith.constant 0 : index
      %get3A_47 = arith.constant 0 : index
      %get3A_48 = vector.load %arg7[%get3A_46, %get3A_47] : memref<4096x1xf32, #tpu.memory_space<vmem>>, vector<4096x1xf32>
      %select_n3A_49 = arith.select %lt3A, %broadcast_in_dim3A, %get3A_48 : vector<4096x1xi1>, vector<4096x1xf32>
      %swap3A = arith.constant 0 : index
      %swap3A_50 = arith.constant 0 : index
      %swap3A_51 = vector.load %arg7[%swap3A, %swap3A_50] : memref<4096x1xf32, #tpu.memory_space<vmem>>, vector<4096x1xf32>
      tpu.vector_store %arg7[%swap3A, %swap3A_50], %select_n3A_49 {strides = array<i32>} : memref<4096x1xf32, #tpu.memory_space<vmem>>, vector<4096x1xf32>,
      %get3A_52 = arith.constant 0 : index
      %get3A_53 = arith.constant 0 : index
      %get3A_54 = vector.load %arg8[%get3A_52, %get3A_53] : memref<4096x1xi32, #tpu.memory_space<vmem>>, vector<4096x1xi32>
      %select_n3A_55 = arith.select %lt3A, %add3A_42, %get3A_54 : vector<4096x1xi1>, vector<4096x1xi32>
      %swap3A_56 = arith.constant 0 : index
      %swap3A_57 = arith.constant 0 : index
      %swap3A_58 = vector.load %arg8[%swap3A_56, %swap3A_57] : memref<4096x1xi32, #tpu.memory_space<vmem>>, vector<4096x1xi32>
      tpu.vector_store %arg8[%swap3A_56, %swap3A_57], %select_n3A_55 {strides = array<i32>} : memref<4096x1xi32, #tpu.memory_space<vmem>>, vector<4096x1xi32>,
    } else {
    }
    %convert_element_type3A_25 = arith.extui %or3A : i1 to i32
    %cond3A_26 = arith.constant 0 : i32
    %cond3A_27 = arith.cmpi ne, %convert_element_type3A_25, %cond3A_26 : i32
    scf.if %cond3A_27 {
      %iota3A = tpu.iota {dimensions = array<i32: 1>} : vector<4096x256xi32>
      %slice3A = vector.extract_strided_slice %add3A_16 {offsets = [0, 0], sizes = [4096, 256], strides = [1, 1]} : vector<4096x1024xf32> to vector<4096x256xf32>
      %reduce_min3A = arith.constant dense<0x7F800000> : vector<4096xf32>
      %reduce_min3A_33 = vector.multi_reduction <minimumf>, %slice3A, %reduce_min3A [1] : vector<4096x256xf32> to vector<4096xf32>
      %broadcast_in_dim3A = vector.shape_cast %reduce_min3A_33 : vector<4096xf32> to vector<4096x1xf32>
      %eq3A_34 = vector.broadcast %broadcast_in_dim3A : vector<4096x1xf32> to vector<4096x256xf32>
      %eq3A_35 = arith.cmpf oeq, %slice3A, %eq3A_34 : vector<4096x256xf32>
      %jit3A = arith.constant 8192 : i32
      %broadcast_in_dim3A_36 = vector.broadcast %jit3A : i32 to vector<4096x256xi32>
      %select_n3A = arith.select %eq3A_35, %iota3A, %broadcast_in_dim3A_36 : vector<4096x256xi1>, vector<4096x256xi32>
      %reduce_min3A_37 = arith.constant dense<2147483647> : vector<4096xi32>
      %reduce_min3A_38 = vector.multi_reduction <minsi>, %select_n3A, %reduce_min3A_37 [1] : vector<4096x256xi32> to vector<4096xi32>
      %broadcast_in_dim3A_39 = vector.shape_cast %reduce_min3A_38 : vector<4096xi32> to vector<4096x1xi32>
      %mul3A = arith.constant 1024 : i32
      %mul3A_40 = arith.muli %arg1, %mul3A : i32
      %add3A_41 = vector.broadcast %mul3A_40 : i32 to vector<4096x1xi32>
      %add3A_42 = arith.addi %broadcast_in_dim3A_39, %add3A_41 : vector<4096x1xi32>
      %add3A_43 = arith.constant 0 : i32
      %add3A_44 = vector.broadcast %add3A_43 : i32 to vector<4096x1xi32>
      %add3A_45 = arith.addi %add3A_42, %add3A_44 : vector<4096x1xi32>
      %get3A_46 = arith.constant 0 : index
      %get3A_47 = arith.constant 0 : index
      %get3A_48 = vector.load %arg7[%get3A_46, %get3A_47] : memref<4096x1xf32, #tpu.memory_space<vmem>>, vector<4096x1xf32>
      %lt3A = arith.cmpf olt, %broadcast_in_dim3A, %get3A_48 : vector<4096x1xf32>
      %get3A_49 = arith.constant 0 : index
      %get3A_50 = arith.constant 0 : index
      %get3A_51 = vector.load %arg7[%get3A_49, %get3A_50] : memref<4096x1xf32, #tpu.memory_space<vmem>>, vector<4096x1xf32>
      %select_n3A_52 = arith.select %lt3A, %broadcast_in_dim3A, %get3A_51 : vector<4096x1xi1>, vector<4096x1xf32>
      %swap3A = arith.constant 0 : index
      %swap3A_53 = arith.constant 0 : index
      %swap3A_54 = vector.load %arg7[%swap3A, %swap3A_53] : memref<4096x1xf32, #tpu.memory_space<vmem>>, vector<4096x1xf32>
      tpu.vector_store %arg7[%swap3A, %swap3A_53], %select_n3A_52 {strides = array<i32>} : memref<4096x1xf32, #tpu.memory_space<vmem>>, vector<4096x1xf32>,
      %get3A_55 = arith.constant 0 : index
      %get3A_56 = arith.constant 0 : index
      %get3A_57 = vector.load %arg8[%get3A_55, %get3A_56] : memref<4096x1xi32, #tpu.memory_space<vmem>>, vector<4096x1xi32>
      %select_n3A_58 = arith.select %lt3A, %add3A_45, %get3A_57 : vector<4096x1xi1>, vector<4096x1xi32>
      %swap3A_59 = arith.constant 0 : index
      %swap3A_60 = arith.constant 0 : index
      %swap3A_61 = vector.load %arg8[%swap3A_59, %swap3A_60] : memref<4096x1xi32, #tpu.memory_space<vmem>>, vector<4096x1xi32>
      tpu.vector_store %arg8[%swap3A_59, %swap3A_60], %select_n3A_58 {strides = array<i32>} : memref<4096x1xi32, #tpu.memory_space<vmem>>, vector<4096x1xi32>,
      %mul3A_62 = arith.constant 1024 : i32
      %mul3A_63 = arith.muli %arg1, %mul3A_62 : i32
      %add3A_64 = arith.constant 256 : i32
      %add3A_65 = arith.addi %mul3A_63, %add3A_64 : i32
      %eq3A_66 = arith.constant 2816 : i32
      %eq3A_67 = arith.cmpi eq, %add3A_65, %eq3A_66 : i32
      %mul3A_68 = arith.constant 1024 : i32
      %mul3A_69 = arith.muli %arg1, %mul3A_68 : i32
      %add3A_70 = arith.constant 256 : i32
      %add3A_71 = arith.addi %mul3A_69, %add3A_70 : i32
      %eq3A_72 = arith.constant 5632 : i32
      %eq3A_73 = arith.cmpi eq, %add3A_71, %eq3A_72 : i32
      %or3A_74 = arith.ori %eq3A_67, %eq3A_73 : i1
      %convert_element_type3A_75 = arith.extui %or3A_74 : i1 to i32
      %cond3A_76 = arith.constant 0 : i32
      %cond3A_77 = arith.cmpi ne, %convert_element_type3A_75, %cond3A_76 : i32
      scf.if %cond3A_77 {
        %get3A_237 = arith.constant 0 : index
        %get3A_238 = arith.constant 0 : index
        %get3A_239 = vector.load %arg7[%get3A_237, %get3A_238] : memref<4096x1xf32, #tpu.memory_space<vmem>>, vector<4096x1xf32>
        %convert_element_type3A_240 = arith.truncf %get3A_239 : vector<4096x1xf32> to vector<4096x1xbf16>
        %convert_element_type3A_241 = arith.extf %convert_element_type3A_240 : vector<4096x1xbf16> to vector<4096x1xf32>
        %swap3A_242 = arith.constant 0 : index
        %swap3A_243 = arith.constant 0 : index
        %swap3A_244 = vector.load %arg7[%swap3A_242, %swap3A_243] : memref<4096x1xf32, #tpu.memory_space<vmem>>, vector<4096x1xf32>
        tpu.vector_store %arg7[%swap3A_242, %swap3A_243], %convert_element_type3A_241 {strides = array<i32>} : memref<4096x1xf32, #tpu.memory_space<vmem>>, vector<4096x1xf32>,
      } else {
      }
      %slice3A_78 = vector.extract_strided_slice %add3A_16 {offsets = [0, 256], sizes = [4096, 256], strides = [1, 1]} : vector<4096x1024xf32> to vector<4096x256xf32>
      %reduce_min3A_79 = arith.constant dense<0x7F800000> : vector<4096xf32>
      %reduce_min3A_80 = vector.multi_reduction <minimumf>, %slice3A_78, %reduce_min3A_79 [1] : vector<4096x256xf32> to vector<4096xf32>
      %broadcast_in_dim3A_81 = vector.shape_cast %reduce_min3A_80 : vector<4096xf32> to vector<4096x1xf32>
      %eq3A_82 = vector.broadcast %broadcast_in_dim3A_81 : vector<4096x1xf32> to vector<4096x256xf32>
      %eq3A_83 = arith.cmpf oeq, %slice3A_78, %eq3A_82 : vector<4096x256xf32>
      %jit3A_84 = arith.constant 8192 : i32
      %broadcast_in_dim3A_85 = vector.broadcast %jit3A_84 : i32 to vector<4096x256xi32>
      %select_n3A_86 = arith.select %eq3A_83, %iota3A, %broadcast_in_dim3A_85 : vector<4096x256xi1>, vector<4096x256xi32>
      %reduce_min3A_87 = arith.constant dense<2147483647> : vector<4096xi32>
      %reduce_min3A_88 = vector.multi_reduction <minsi>, %select_n3A_86, %reduce_min3A_87 [1] : vector<4096x256xi32> to vector<4096xi32>
      %broadcast_in_dim3A_89 = vector.shape_cast %reduce_min3A_88 : vector<4096xi32> to vector<4096x1xi32>
      %mul3A_90 = arith.constant 1024 : i32
      %mul3A_91 = arith.muli %arg1, %mul3A_90 : i32
      %add3A_92 = vector.broadcast %mul3A_91 : i32 to vector<4096x1xi32>
      %add3A_93 = arith.addi %broadcast_in_dim3A_89, %add3A_92 : vector<4096x1xi32>
      %add3A_94 = arith.constant 256 : i32
      %add3A_95 = vector.broadcast %add3A_94 : i32 to vector<4096x1xi32>
      %add3A_96 = arith.addi %add3A_93, %add3A_95 : vector<4096x1xi32>
      %get3A_97 = arith.constant 0 : index
      %get3A_98 = arith.constant 0 : index
      %get3A_99 = vector.load %arg7[%get3A_97, %get3A_98] : memref<4096x1xf32, #tpu.memory_space<vmem>>, vector<4096x1xf32>
      %lt3A_100 = arith.cmpf olt, %broadcast_in_dim3A_81, %get3A_99 : vector<4096x1xf32>
      %get3A_101 = arith.constant 0 : index
      %get3A_102 = arith.constant 0 : index
      %get3A_103 = vector.load %arg7[%get3A_101, %get3A_102] : memref<4096x1xf32, #tpu.memory_space<vmem>>, vector<4096x1xf32>
      %select_n3A_104 = arith.select %lt3A_100, %broadcast_in_dim3A_81, %get3A_103 : vector<4096x1xi1>, vector<4096x1xf32>
      %swap3A_105 = arith.constant 0 : index
      %swap3A_106 = arith.constant 0 : index
      %swap3A_107 = vector.load %arg7[%swap3A_105, %swap3A_106] : memref<4096x1xf32, #tpu.memory_space<vmem>>, vector<4096x1xf32>
      tpu.vector_store %arg7[%swap3A_105, %swap3A_106], %select_n3A_104 {strides = array<i32>} : memref<4096x1xf32, #tpu.memory_space<vmem>>, vector<4096x1xf32>,
      %get3A_108 = arith.constant 0 : index
      %get3A_109 = arith.constant 0 : index
      %get3A_110 = vector.load %arg8[%get3A_108, %get3A_109] : memref<4096x1xi32, #tpu.memory_space<vmem>>, vector<4096x1xi32>
      %select_n3A_111 = arith.select %lt3A_100, %add3A_96, %get3A_110 : vector<4096x1xi1>, vector<4096x1xi32>
      %swap3A_112 = arith.constant 0 : index
      %swap3A_113 = arith.constant 0 : index
      %swap3A_114 = vector.load %arg8[%swap3A_112, %swap3A_113] : memref<4096x1xi32, #tpu.memory_space<vmem>>, vector<4096x1xi32>
      tpu.vector_store %arg8[%swap3A_112, %swap3A_113], %select_n3A_111 {strides = array<i32>} : memref<4096x1xi32, #tpu.memory_space<vmem>>, vector<4096x1xi32>,
      %mul3A_115 = arith.constant 1024 : i32
      %mul3A_116 = arith.muli %arg1, %mul3A_115 : i32
      %add3A_117 = arith.constant 512 : i32
      %add3A_118 = arith.addi %mul3A_116, %add3A_117 : i32
      %eq3A_119 = arith.constant 2816 : i32
      %eq3A_120 = arith.cmpi eq, %add3A_118, %eq3A_119 : i32
      %mul3A_121 = arith.constant 1024 : i32
      %mul3A_122 = arith.muli %arg1, %mul3A_121 : i32
      %add3A_123 = arith.constant 512 : i32
      %add3A_124 = arith.addi %mul3A_122, %add3A_123 : i32
      %eq3A_125 = arith.constant 5632 : i32
      %eq3A_126 = arith.cmpi eq, %add3A_124, %eq3A_125 : i32
      %or3A_127 = arith.ori %eq3A_120, %eq3A_126 : i1
      %convert_element_type3A_128 = arith.extui %or3A_127 : i1 to i32
      %cond3A_129 = arith.constant 0 : i32
      %cond3A_130 = arith.cmpi ne, %convert_element_type3A_128, %cond3A_129 : i32
      scf.if %cond3A_130 {
        %get3A_237 = arith.constant 0 : index
        %get3A_238 = arith.constant 0 : index
        %get3A_239 = vector.load %arg7[%get3A_237, %get3A_238] : memref<4096x1xf32, #tpu.memory_space<vmem>>, vector<4096x1xf32>
        %convert_element_type3A_240 = arith.truncf %get3A_239 : vector<4096x1xf32> to vector<4096x1xbf16>
        %convert_element_type3A_241 = arith.extf %convert_element_type3A_240 : vector<4096x1xbf16> to vector<4096x1xf32>
        %swap3A_242 = arith.constant 0 : index
        %swap3A_243 = arith.constant 0 : index
        %swap3A_244 = vector.load %arg7[%swap3A_242, %swap3A_243] : memref<4096x1xf32, #tpu.memory_space<vmem>>, vector<4096x1xf32>
        tpu.vector_store %arg7[%swap3A_242, %swap3A_243], %convert_element_type3A_241 {strides = array<i32>} : memref<4096x1xf32, #tpu.memory_space<vmem>>, vector<4096x1xf32>,
      } else {
      }
      %slice3A_131 = vector.extract_strided_slice %add3A_16 {offsets = [0, 512], sizes = [4096, 256], strides = [1, 1]} : vector<4096x1024xf32> to vector<4096x256xf32>
      %reduce_min3A_132 = arith.constant dense<0x7F800000> : vector<4096xf32>
      %reduce_min3A_133 = vector.multi_reduction <minimumf>, %slice3A_131, %reduce_min3A_132 [1] : vector<4096x256xf32> to vector<4096xf32>
      %broadcast_in_dim3A_134 = vector.shape_cast %reduce_min3A_133 : vector<4096xf32> to vector<4096x1xf32>
      %eq3A_135 = vector.broadcast %broadcast_in_dim3A_134 : vector<4096x1xf32> to vector<4096x256xf32>
      %eq3A_136 = arith.cmpf oeq, %slice3A_131, %eq3A_135 : vector<4096x256xf32>
      %jit3A_137 = arith.constant 8192 : i32
      %broadcast_in_dim3A_138 = vector.broadcast %jit3A_137 : i32 to vector<4096x256xi32>
      %select_n3A_139 = arith.select %eq3A_136, %iota3A, %broadcast_in_dim3A_138 : vector<4096x256xi1>, vector<4096x256xi32>
      %reduce_min3A_140 = arith.constant dense<2147483647> : vector<4096xi32>
      %reduce_min3A_141 = vector.multi_reduction <minsi>, %select_n3A_139, %reduce_min3A_140 [1] : vector<4096x256xi32> to vector<4096xi32>
      %broadcast_in_dim3A_142 = vector.shape_cast %reduce_min3A_141 : vector<4096xi32> to vector<4096x1xi32>
      %mul3A_143 = arith.constant 1024 : i32
      %mul3A_144 = arith.muli %arg1, %mul3A_143 : i32
      %add3A_145 = vector.broadcast %mul3A_144 : i32 to vector<4096x1xi32>
      %add3A_146 = arith.addi %broadcast_in_dim3A_142, %add3A_145 : vector<4096x1xi32>
      %add3A_147 = arith.constant 512 : i32
      %add3A_148 = vector.broadcast %add3A_147 : i32 to vector<4096x1xi32>
      %add3A_149 = arith.addi %add3A_146, %add3A_148 : vector<4096x1xi32>
      %get3A_150 = arith.constant 0 : index
      %get3A_151 = arith.constant 0 : index
      %get3A_152 = vector.load %arg7[%get3A_150, %get3A_151] : memref<4096x1xf32, #tpu.memory_space<vmem>>, vector<4096x1xf32>
      %lt3A_153 = arith.cmpf olt, %broadcast_in_dim3A_134, %get3A_152 : vector<4096x1xf32>
      %get3A_154 = arith.constant 0 : index
      %get3A_155 = arith.constant 0 : index
      %get3A_156 = vector.load %arg7[%get3A_154, %get3A_155] : memref<4096x1xf32, #tpu.memory_space<vmem>>, vector<4096x1xf32>
      %select_n3A_157 = arith.select %lt3A_153, %broadcast_in_dim3A_134, %get3A_156 : vector<4096x1xi1>, vector<4096x1xf32>
      %swap3A_158 = arith.constant 0 : index
      %swap3A_159 = arith.constant 0 : index
      %swap3A_160 = vector.load %arg7[%swap3A_158, %swap3A_159] : memref<4096x1xf32, #tpu.memory_space<vmem>>, vector<4096x1xf32>
      tpu.vector_store %arg7[%swap3A_158, %swap3A_159], %select_n3A_157 {strides = array<i32>} : memref<4096x1xf32, #tpu.memory_space<vmem>>, vector<4096x1xf32>,
      %get3A_161 = arith.constant 0 : index
      %get3A_162 = arith.constant 0 : index
      %get3A_163 = vector.load %arg8[%get3A_161, %get3A_162] : memref<4096x1xi32, #tpu.memory_space<vmem>>, vector<4096x1xi32>
      %select_n3A_164 = arith.select %lt3A_153, %add3A_149, %get3A_163 : vector<4096x1xi1>, vector<4096x1xi32>
      %swap3A_165 = arith.constant 0 : index
      %swap3A_166 = arith.constant 0 : index
      %swap3A_167 = vector.load %arg8[%swap3A_165, %swap3A_166] : memref<4096x1xi32, #tpu.memory_space<vmem>>, vector<4096x1xi32>
      tpu.vector_store %arg8[%swap3A_165, %swap3A_166], %select_n3A_164 {strides = array<i32>} : memref<4096x1xi32, #tpu.memory_space<vmem>>, vector<4096x1xi32>,
      %mul3A_168 = arith.constant 1024 : i32
      %mul3A_169 = arith.muli %arg1, %mul3A_168 : i32
      %add3A_170 = arith.constant 768 : i32
      %add3A_171 = arith.addi %mul3A_169, %add3A_170 : i32
      %eq3A_172 = arith.constant 2816 : i32
      %eq3A_173 = arith.cmpi eq, %add3A_171, %eq3A_172 : i32
      %mul3A_174 = arith.constant 1024 : i32
      %mul3A_175 = arith.muli %arg1, %mul3A_174 : i32
      %add3A_176 = arith.constant 768 : i32
      %add3A_177 = arith.addi %mul3A_175, %add3A_176 : i32
      %eq3A_178 = arith.constant 5632 : i32
      %eq3A_179 = arith.cmpi eq, %add3A_177, %eq3A_178 : i32
      %or3A_180 = arith.ori %eq3A_173, %eq3A_179 : i1
      %convert_element_type3A_181 = arith.extui %or3A_180 : i1 to i32
      %cond3A_182 = arith.constant 0 : i32
      %cond3A_183 = arith.cmpi ne, %convert_element_type3A_181, %cond3A_182 : i32
      scf.if %cond3A_183 {
        %get3A_237 = arith.constant 0 : index
        %get3A_238 = arith.constant 0 : index
        %get3A_239 = vector.load %arg7[%get3A_237, %get3A_238] : memref<4096x1xf32, #tpu.memory_space<vmem>>, vector<4096x1xf32>
        %convert_element_type3A_240 = arith.truncf %get3A_239 : vector<4096x1xf32> to vector<4096x1xbf16>
        %convert_element_type3A_241 = arith.extf %convert_element_type3A_240 : vector<4096x1xbf16> to vector<4096x1xf32>
        %swap3A_242 = arith.constant 0 : index
        %swap3A_243 = arith.constant 0 : index
        %swap3A_244 = vector.load %arg7[%swap3A_242, %swap3A_243] : memref<4096x1xf32, #tpu.memory_space<vmem>>, vector<4096x1xf32>
        tpu.vector_store %arg7[%swap3A_242, %swap3A_243], %convert_element_type3A_241 {strides = array<i32>} : memref<4096x1xf32, #tpu.memory_space<vmem>>, vector<4096x1xf32>,
      } else {
      }
      %slice3A_184 = vector.extract_strided_slice %add3A_16 {offsets = [0, 768], sizes = [4096, 256], strides = [1, 1]} : vector<4096x1024xf32> to vector<4096x256xf32>
      %reduce_min3A_185 = arith.constant dense<0x7F800000> : vector<4096xf32>
      %reduce_min3A_186 = vector.multi_reduction <minimumf>, %slice3A_184, %reduce_min3A_185 [1] : vector<4096x256xf32> to vector<4096xf32>
      %broadcast_in_dim3A_187 = vector.shape_cast %reduce_min3A_186 : vector<4096xf32> to vector<4096x1xf32>
      %eq3A_188 = vector.broadcast %broadcast_in_dim3A_187 : vector<4096x1xf32> to vector<4096x256xf32>
      %eq3A_189 = arith.cmpf oeq, %slice3A_184, %eq3A_188 : vector<4096x256xf32>
      %jit3A_190 = arith.constant 8192 : i32
      %broadcast_in_dim3A_191 = vector.broadcast %jit3A_190 : i32 to vector<4096x256xi32>
      %select_n3A_192 = arith.select %eq3A_189, %iota3A, %broadcast_in_dim3A_191 : vector<4096x256xi1>, vector<4096x256xi32>
      %reduce_min3A_193 = arith.constant dense<2147483647> : vector<4096xi32>
      %reduce_min3A_194 = vector.multi_reduction <minsi>, %select_n3A_192, %reduce_min3A_193 [1] : vector<4096x256xi32> to vector<4096xi32>
      %broadcast_in_dim3A_195 = vector.shape_cast %reduce_min3A_194 : vector<4096xi32> to vector<4096x1xi32>
      %mul3A_196 = arith.constant 1024 : i32
      %mul3A_197 = arith.muli %arg1, %mul3A_196 : i32
      %add3A_198 = vector.broadcast %mul3A_197 : i32 to vector<4096x1xi32>
      %add3A_199 = arith.addi %broadcast_in_dim3A_195, %add3A_198 : vector<4096x1xi32>
      %add3A_200 = arith.constant 768 : i32
      %add3A_201 = vector.broadcast %add3A_200 : i32 to vector<4096x1xi32>
      %add3A_202 = arith.addi %add3A_199, %add3A_201 : vector<4096x1xi32>
      %get3A_203 = arith.constant 0 : index
      %get3A_204 = arith.constant 0 : index
      %get3A_205 = vector.load %arg7[%get3A_203, %get3A_204] : memref<4096x1xf32, #tpu.memory_space<vmem>>, vector<4096x1xf32>
      %lt3A_206 = arith.cmpf olt, %broadcast_in_dim3A_187, %get3A_205 : vector<4096x1xf32>
      %get3A_207 = arith.constant 0 : index
      %get3A_208 = arith.constant 0 : index
      %get3A_209 = vector.load %arg7[%get3A_207, %get3A_208] : memref<4096x1xf32, #tpu.memory_space<vmem>>, vector<4096x1xf32>
      %select_n3A_210 = arith.select %lt3A_206, %broadcast_in_dim3A_187, %get3A_209 : vector<4096x1xi1>, vector<4096x1xf32>
      %swap3A_211 = arith.constant 0 : index
      %swap3A_212 = arith.constant 0 : index
      %swap3A_213 = vector.load %arg7[%swap3A_211, %swap3A_212] : memref<4096x1xf32, #tpu.memory_space<vmem>>, vector<4096x1xf32>
      tpu.vector_store %arg7[%swap3A_211, %swap3A_212], %select_n3A_210 {strides = array<i32>} : memref<4096x1xf32, #tpu.memory_space<vmem>>, vector<4096x1xf32>,
      %get3A_214 = arith.constant 0 : index
      %get3A_215 = arith.constant 0 : index
      %get3A_216 = vector.load %arg8[%get3A_214, %get3A_215] : memref<4096x1xi32, #tpu.memory_space<vmem>>, vector<4096x1xi32>
      %select_n3A_217 = arith.select %lt3A_206, %add3A_202, %get3A_216 : vector<4096x1xi1>, vector<4096x1xi32>
      %swap3A_218 = arith.constant 0 : index
      %swap3A_219 = arith.constant 0 : index
      %swap3A_220 = vector.load %arg8[%swap3A_218, %swap3A_219] : memref<4096x1xi32, #tpu.memory_space<vmem>>, vector<4096x1xi32>
      tpu.vector_store %arg8[%swap3A_218, %swap3A_219], %select_n3A_217 {strides = array<i32>} : memref<4096x1xi32, #tpu.memory_space<vmem>>, vector<4096x1xi32>,
      %mul3A_221 = arith.constant 1024 : i32
      %mul3A_222 = arith.muli %arg1, %mul3A_221 : i32
      %add3A_223 = arith.constant 1024 : i32
      %add3A_224 = arith.addi %mul3A_222, %add3A_223 : i32
      %eq3A_225 = arith.constant 2816 : i32
      %eq3A_226 = arith.cmpi eq, %add3A_224, %eq3A_225 : i32
      %mul3A_227 = arith.constant 1024 : i32
      %mul3A_228 = arith.muli %arg1, %mul3A_227 : i32
      %add3A_229 = arith.constant 1024 : i32
      %add3A_230 = arith.addi %mul3A_228, %add3A_229 : i32
      %eq3A_231 = arith.constant 5632 : i32
      %eq3A_232 = arith.cmpi eq, %add3A_230, %eq3A_231 : i32
      %or3A_233 = arith.ori %eq3A_226, %eq3A_232 : i1
      %convert_element_type3A_234 = arith.extui %or3A_233 : i1 to i32
      %cond3A_235 = arith.constant 0 : i32
      %cond3A_236 = arith.cmpi ne, %convert_element_type3A_234, %cond3A_235 : i32
      scf.if %cond3A_236 {
        %get3A_237 = arith.constant 0 : index
        %get3A_238 = arith.constant 0 : index
        %get3A_239 = vector.load %arg7[%get3A_237, %get3A_238] : memref<4096x1xf32, #tpu.memory_space<vmem>>, vector<4096x1xf32>
        %convert_element_type3A_240 = arith.truncf %get3A_239 : vector<4096x1xf32> to vector<4096x1xbf16>
        %convert_element_type3A_241 = arith.extf %convert_element_type3A_240 : vector<4096x1xbf16> to vector<4096x1xf32>
        %swap3A_242 = arith.constant 0 : index
        %swap3A_243 = arith.constant 0 : index
        %swap3A_244 = vector.load %arg7[%swap3A_242, %swap3A_243] : memref<4096x1xf32, #tpu.memory_space<vmem>>, vector<4096x1xf32>
        tpu.vector_store %arg7[%swap3A_242, %swap3A_243], %convert_element_type3A_241 {strides = array<i32>} : memref<4096x1xf32, #tpu.memory_space<vmem>>, vector<4096x1xf32>,
      } else {
      }
    } else {
    }
    %eq3A_28 = arith.constant 7 : i32
    %eq3A_29 = arith.cmpi eq, %arg1, %eq3A_28 : i32
    %convert_element_type3A_30 = arith.extui %eq3A_29 : i1 to i32
    %cond3A_31 = arith.constant 0 : i32
    %cond3A_32 = arith.cmpi ne, %convert_element_type3A_30, %cond3A_31 : i32
    scf.if %cond3A_32 {
      %get3A_33 = arith.constant 0 : index
      %get3A_34 = arith.constant 0 : index
      %get3A_35 = vector.load %arg8[%get3A_33, %get3A_34] : memref<4096x1xi32, #tpu.memory_space<vmem>>, vector<4096x1xi32>
      %swap3A = arith.constant 0 : index
      %swap3A_36 = arith.constant 0 : index
      %swap3A_37 = vector.load %arg6[%swap3A, %swap3A_36] : memref<4096x1xi32, #tpu.memory_space<vmem>>, vector<4096x1xi32>
      tpu.vector_store %arg6[%swap3A, %swap3A_36], %get3A_35 {strides = array<i32>} : memref<4096x1xi32, #tpu.memory_space<vmem>>, vector<4096x1xi32>,
    } else {
    }
    return
  }
  func.func @transform_0(%arg0: i32, %arg1: i32) -> (i32, i32) {
    %c0_i32 = arith.constant 0 : i32
    %c0_i32_0 = arith.constant 0 : i32
    return %arg0, %c0_i32 : i32, i32
  }
  func.func @transform_1(%arg0: i32, %arg1: i32) -> (i32, i32) {
    %c0_i32 = arith.constant 0 : i32
    %c0_i32_0 = arith.constant 0 : i32
    return %c0_i32, %arg1 : i32, i32
  }
  func.func @transform_2(%arg0: i32, %arg1: i32) -> (i32, i32) {
    %c0_i32 = arith.constant 0 : i32
    %c0_i32_0 = arith.constant 0 : i32
    return %arg0, %c0_i32 : i32, i32
  }
  func.func @transform_3(%arg0: i32, %arg1: i32) -> (i32, i32) {
    %c0_i32 = arith.constant 0 : i32
    %c0_i32_0 = arith.constant 0 : i32
    return %c0_i32, %arg1 : i32, i32
  }
  func.func @transform_4(%arg0: i32, %arg1: i32) -> (i32, i32) {
    %c0_i32 = arith.constant 0 : i32
    %c0_i32_0 = arith.constant 0 : i32
    return %arg0, %c0_i32 : i32, i32
  }
}

module attributes {stable_mosaic.version = 14 : i64} {
  func.func @_rot_body(%arg0: i32, %arg1: i32, %arg2: memref<1x256x1024xf32, #tpu.memory_space<vmem>>, %arg3: memref<1x1024x256xf32, #tpu.memory_space<vmem>>, %arg4: memref<1x256x1024xf32, #tpu.memory_space<vmem>>, %arg5: memref<1x256x1024xf32, #tpu.memory_space<vmem>>) attributes {dimension_semantics = [#tpu.dimension_semantics<arbitrary>, #tpu.dimension_semantics<arbitrary>], iteration_bounds = array<i64: 8, 1>, scalar_prefetch = 0 : i64, scratch_operands = 0 : i64, tpu.core_type = #tpu.core_type<tc>, window_params = [{transform_indices = @transform_0, window_bounds = array<i64: 1, 256, 1024>}, {transform_indices = @transform_1, window_bounds = array<i64: 1, 1024, 256>}, {transform_indices = @transform_2, window_bounds = array<i64: 1, 256, 1024>}, {transform_indices = @transform_3, window_bounds = array<i64: 1, 256, 1024>}]} {
    %get3A = arith.constant 0 : index
    %get3A_0 = arith.constant 0 : index
    %get3A_1 = arith.constant 0 : index
    %get3A_2 = vector.load %arg2[%get3A, %get3A_0, %get3A_1] : memref<1x256x1024xf32, #tpu.memory_space<vmem>>, vector<1x256x1024xf32>
    %get3A_3 = vector.shape_cast %get3A_2 : vector<1x256x1024xf32> to vector<256x1024xf32>
    %get3A_4 = arith.constant 0 : index
    %get3A_5 = arith.constant 0 : index
    %get3A_6 = arith.constant 0 : index
    %get3A_7 = vector.load %arg3[%get3A_4, %get3A_5, %get3A_6] : memref<1x1024x256xf32, #tpu.memory_space<vmem>>, vector<1x1024x256xf32>
    %get3A_8 = vector.shape_cast %get3A_7 : vector<1x1024x256xf32> to vector<1024x256xf32>
    %transpose3A = tpu.transpose %get3A_8, [1, 0] : vector<1024x256xf32> -> vector<256x1024xf32>
    %mul3A = arith.mulf %get3A_3, %get3A_3 : vector<256x1024xf32>
    %reduce_sum3A = arith.constant dense<0.000000e+00> : vector<1024xf32>
    %reduce_sum3A_9 = vector.multi_reduction <add>, %mul3A, %reduce_sum3A [0] : vector<256x1024xf32> to vector<1024xf32>
    %broadcast_in_dim3A = vector.shape_cast %reduce_sum3A_9 : vector<1024xf32> to vector<1x1024xf32>
    %sqrt3A = math.sqrt %broadcast_in_dim3A : vector<1x1024xf32>
    %add3A = arith.constant 9.99999997E-7 : f32
    %add3A_10 = vector.broadcast %add3A : f32 to vector<1x1024xf32>
    %add3A_11 = arith.addf %sqrt3A, %add3A_10 : vector<1x1024xf32>
    %mul3A_12 = arith.mulf %transpose3A, %transpose3A : vector<256x1024xf32>
    %reduce_sum3A_13 = arith.constant dense<0.000000e+00> : vector<1024xf32>
    %reduce_sum3A_14 = vector.multi_reduction <add>, %mul3A_12, %reduce_sum3A_13 [0] : vector<256x1024xf32> to vector<1024xf32>
    %broadcast_in_dim3A_15 = vector.shape_cast %reduce_sum3A_14 : vector<1024xf32> to vector<1x1024xf32>
    %sqrt3A_16 = math.sqrt %broadcast_in_dim3A_15 : vector<1x1024xf32>
    %add3A_17 = arith.constant 9.99999997E-7 : f32
    %add3A_18 = vector.broadcast %add3A_17 : f32 to vector<1x1024xf32>
    %add3A_19 = arith.addf %sqrt3A_16, %add3A_18 : vector<1x1024xf32>
    %div3A = vector.broadcast %add3A_11 : vector<1x1024xf32> to vector<256x1024xf32>
    %div3A_20 = arith.divf %get3A_3, %div3A : vector<256x1024xf32>
    %div3A_21 = vector.broadcast %add3A_19 : vector<1x1024xf32> to vector<256x1024xf32>
    %div3A_22 = arith.divf %transpose3A, %div3A_21 : vector<256x1024xf32>
    %div3A_23 = arith.divf %add3A_19, %add3A_11 : vector<1x1024xf32>
    %add3A_24 = arith.addf %div3A_20, %div3A_22 : vector<256x1024xf32>
    %mul3A_25 = arith.mulf %add3A_24, %add3A_24 : vector<256x1024xf32>
    %reduce_sum3A_26 = arith.constant dense<0.000000e+00> : vector<1024xf32>
    %reduce_sum3A_27 = vector.multi_reduction <add>, %mul3A_25, %reduce_sum3A_26 [0] : vector<256x1024xf32> to vector<1024xf32>
    %broadcast_in_dim3A_28 = vector.shape_cast %reduce_sum3A_27 : vector<1024xf32> to vector<1x1024xf32>
    %sqrt3A_29 = math.sqrt %broadcast_in_dim3A_28 : vector<1x1024xf32>
    %div3A_30 = vector.broadcast %sqrt3A_29 : vector<1x1024xf32> to vector<256x1024xf32>
    %div3A_31 = arith.divf %add3A_24, %div3A_30 : vector<256x1024xf32>
    %mul3A_32 = arith.mulf %div3A_31, %get3A_3 : vector<256x1024xf32>
    %reduce_sum3A_33 = arith.constant dense<0.000000e+00> : vector<1024xf32>
    %reduce_sum3A_34 = vector.multi_reduction <add>, %mul3A_32, %reduce_sum3A_33 [0] : vector<256x1024xf32> to vector<1024xf32>
    %broadcast_in_dim3A_35 = vector.shape_cast %reduce_sum3A_34 : vector<1024xf32> to vector<1x1024xf32>
    %mul3A_36 = arith.mulf %div3A_20, %get3A_3 : vector<256x1024xf32>
    %reduce_sum3A_37 = arith.constant dense<0.000000e+00> : vector<1024xf32>
    %reduce_sum3A_38 = vector.multi_reduction <add>, %mul3A_36, %reduce_sum3A_37 [0] : vector<256x1024xf32> to vector<1024xf32>
    %broadcast_in_dim3A_39 = vector.shape_cast %reduce_sum3A_38 : vector<1024xf32> to vector<1x1024xf32>
    %mul3A_40 = arith.constant 2.000000e+00 : f32
    %mul3A_41 = vector.broadcast %mul3A_40 : f32 to vector<256x1024xf32>
    %mul3A_42 = arith.mulf %mul3A_41, %div3A_31 : vector<256x1024xf32>
    %mul3A_43 = vector.broadcast %broadcast_in_dim3A_35 : vector<1x1024xf32> to vector<256x1024xf32>
    %mul3A_44 = arith.mulf %mul3A_42, %mul3A_43 : vector<256x1024xf32>
    %sub3A = arith.subf %get3A_3, %mul3A_44 : vector<256x1024xf32>
    %mul3A_45 = arith.constant 2.000000e+00 : f32
    %mul3A_46 = vector.broadcast %mul3A_45 : f32 to vector<256x1024xf32>
    %mul3A_47 = arith.mulf %mul3A_46, %div3A_22 : vector<256x1024xf32>
    %mul3A_48 = vector.broadcast %broadcast_in_dim3A_39 : vector<1x1024xf32> to vector<256x1024xf32>
    %mul3A_49 = arith.mulf %mul3A_47, %mul3A_48 : vector<256x1024xf32>
    %add3A_50 = arith.addf %sub3A, %mul3A_49 : vector<256x1024xf32>
    %mul3A_51 = vector.broadcast %div3A_23 : vector<1x1024xf32> to vector<256x1024xf32>
    %mul3A_52 = arith.mulf %mul3A_51, %add3A_50 : vector<256x1024xf32>
    %swap3A = arith.constant 0 : index
    %swap3A_53 = arith.constant 0 : index
    %swap3A_54 = arith.constant 0 : index
    %swap3A_55 = vector.load %arg4[%swap3A, %swap3A_53, %swap3A_54] : memref<1x256x1024xf32, #tpu.memory_space<vmem>>, vector<1x256x1024xf32>
    %swap3A_56 = vector.shape_cast %swap3A_55 : vector<1x256x1024xf32> to vector<256x1024xf32>
    %swap3A_57 = vector.shape_cast %mul3A_52 : vector<256x1024xf32> to vector<1x256x1024xf32>
    tpu.vector_store %arg4[%swap3A, %swap3A_53, %swap3A_54], %swap3A_57 {strides = array<i32>} : memref<1x256x1024xf32, #tpu.memory_space<vmem>>, vector<1x256x1024xf32>,
    %swap3A_58 = arith.constant 0 : index
    %swap3A_59 = arith.constant 0 : index
    %swap3A_60 = arith.constant 0 : index
    %swap3A_61 = vector.load %arg5[%swap3A_58, %swap3A_59, %swap3A_60] : memref<1x256x1024xf32, #tpu.memory_space<vmem>>, vector<1x256x1024xf32>
    %swap3A_62 = vector.shape_cast %swap3A_61 : vector<1x256x1024xf32> to vector<256x1024xf32>
    %swap3A_63 = vector.shape_cast %transpose3A : vector<256x1024xf32> to vector<1x256x1024xf32>
    tpu.vector_store %arg5[%swap3A_58, %swap3A_59, %swap3A_60], %swap3A_63 {strides = array<i32>} : memref<1x256x1024xf32, #tpu.memory_space<vmem>>, vector<1x256x1024xf32>,
    return
  }
  func.func @transform_0(%arg0: i32, %arg1: i32) -> (i32, i32, i32) {
    %c0_i32 = arith.constant 0 : i32
    %c0_i32_0 = arith.constant 0 : i32
    return %arg0, %c0_i32, %arg1 : i32, i32, i32
  }
  func.func @transform_1(%arg0: i32, %arg1: i32) -> (i32, i32, i32) {
    %c0_i32 = arith.constant 0 : i32
    %c0_i32_0 = arith.constant 0 : i32
    return %arg0, %arg1, %c0_i32 : i32, i32, i32
  }
  func.func @transform_2(%arg0: i32, %arg1: i32) -> (i32, i32, i32) {
    %c0_i32 = arith.constant 0 : i32
    %c0_i32_0 = arith.constant 0 : i32
    return %arg0, %c0_i32, %arg1 : i32, i32, i32
  }
  func.func @transform_3(%arg0: i32, %arg1: i32) -> (i32, i32, i32) {
    %c0_i32 = arith.constant 0 : i32
    %c0_i32_0 = arith.constant 0 : i32
    return %arg0, %c0_i32, %arg1 : i32, i32, i32
  }
}

</mosaic_0001>

<sc_bundles>
// kernel: kernel.5.cloned.1.call-start
scs
__scs_entry_jumppad:
0x0: {  	(pc) =	sbr.rel $0x88, $3  }
0x1: {  	(tag) =	ssettag $0x0;
	lr =	simm.s32 $0x1  }
0x2: {  	[smem:$0x3F9F] =	sst lr;
	_ =	strace $0xD0000000  }
0x3: {  	_ = 	snop  }
0x4: {  	_ = 	snop  }
0x5: {  	_ = 	snop  }
0x6: {  	_ = 	snop  }
0x7: {  	_ = 	snop  }
__scs_overlays_trampoline_lowered:
0x8: {  	[smem:$0x3FAE] =	sst s0  }
0x9: {  	[smem:$0x3FAF] =	sst s1  }
0xa: {  	[smem:$0x3FB0] =	sst s2  }
0xb: {  	[smem:$0x3FB1] =	sst s3  }
0xc: {  	[smem:$0x3FB2] =	sst s4  }
0xd: {  	[smem:$0x3FB3] =	sst s5  }
0xe: {  	[smem:$0x3FB4] =	sst s6  }
0xf: {  	[smem:$0x3FB5] =	sst s7  }
0x10: {  	[smem:$0x3FB6] =	sst s8  }
0x11: {  	[smem:$0x3FB7] =	sst s9;
	s0 =	simm.s32 @!p0 $0x0  }
0x12: {  	s1 =	sld [smem:$0x3F9D];
	s0 =	simm.s32 @p0 $0x1  }
0x13: {  	[smem:$0x3FB8] =	sst s0;
	s0 =	simm.s32 @!p1 $0x0  }
0x14: {  	s2 =	sld [smem:$0x3F9C];
	s0 =	simm.s32 @p1 $0x1  }
0x15: {  	[smem:$0x3FB9] =	sst s0;
	s0 =	simm.s32 @!p2 $0x0  }
0x16: {  	s3 =	sld [smem:$0x3FDB];
	s0 =	simm.s32 @p2 $0x1  }
0x17: {  	s4 =	simm.s32 $0x1BF5;
	[smem:$0x3FBB] =	sst s0  }
0x18: {  	s0 =	sld [smem:$0x3F9E];
	_ =	swait.ge [sflag:s4], $0x0  }
0x19: {  	s7 =	sld [smem:$0x3F9F]  }
0x1a: {  	s8 =	sadd.s32 $0xFFFFE003, lr  }
0x1b: {  	s9 =	sadd.s32 $0xFFFFFEF7, lr;
	s5 =	simm.s32 $0xFFFFFFFF;
	p2 =	slt.u32 s8, $0xFFFFF086  }
0x1c: {  	p1 =	slt.u32 s9, $0xF7A;
	s5 =	simm.s32 @!p2 $0x0  }
0x1d: {  	s5 =	simm.s32 @p1 $0x1;
	p0 =	seq.s32 s7, s2  }
0x1e: {  	s7 =	smul.u32 @!p0 $0xF7A, s2;
	p2 =	seq.s32 @!p0 s5, $0x0  }
0x1f: {  	s9 =	smul.u32 $0xF7A, s1;
	s8 =	simm.s32 @!p0 $0x1BF5;
	p2 =	por !p2, p0  }
0x20: {  	[sflag:s8] =	ssyncset.s32 @!p0 $0xFFFFF086;
	s6 =	sadd.s32 @!p0 s3, s7;
	s7 =	simm.s32 @!p0 $0x108  }
0x21: {  	s3 =	sadd.s32 s3, s9;
	s6 =	sadd.s32 @!p0 $0x88, s6;
	s7 =	simm.s32 @p2 $0x1082  }
0x22: {  	[simem:s7], [sflag:s8] =	dma.local @!p0 [hbm:s6], $0xF7A  }
0x23: {  	s9 =	sor.u32 $0xD0000000, s2;
	s6 =	simm.s32 $0x108;
	_ =	swait.ge @!p0 [sflag:s8], $0x0  }
0x24: {  	s3 =	sadd.s32 $0x88, s3;
	s6 =	simm.s32 @!p1 $0x1082;
	[sflag:s4] =	ssyncset.s32 $0xFFFFF086  }
0x25: {  	[simem:s6], [sflag:s4] =	dma.local [hbm:s3], $0xF7A  }
0x26: {  	[smem:$0x3F9F] =	sst s1;
	(tag) =	ssettag s2;
	_ =	strace s9  }
0x27: {  	s1 =	sld [smem:$0x3FAF]  }
0x28: {  	s2 =	sld [smem:$0x3FB0]  }
0x29: {  	s4 =	sld [smem:$0x3FB2]  }
0x2a: {  	p0 =	seq.s32 s5, $0x0;
	s5 =	sld [smem:$0x3FB3]  }
0x2b: {  	s6 =	sld [smem:$0x3FB4]  }
0x2c: {  	s7 =	sld [smem:$0x3FB5]  }
0x2d: {  	s3 =	simm.s32 $0x108;
	s8 =	sld [smem:$0x3FB6]  }
0x2e: {  	s3 =	simm.s32 @!p0 $0x1082;
	s9 =	sld [smem:$0x3FB7]  }
0x2f: {  	lr =	sadd.s32 s0, s3;
	s0 =	sld [smem:$0x3FAE]  }
0x30: {  	s3 =	sld [smem:$0x3FB1]  }
0x31: {  	[smem:$0x3FBA] =	sst s10  }
0x32: {  	s10 =	sld [smem:$0x3FB8];
	_ =	sdelay $0x3  }
0x33: {  	p0 =	seq.s32 s10, $0x1;
	s10 =	sld [smem:$0x3FBA];
	_ =	sdelay $0x3  }
0x34: {  	[smem:$0x3FBA] =	sst s10  }
0x35: {  	s10 =	sld [smem:$0x3FB9];
	_ =	sdelay $0x3  }
0x36: {  	p1 =	seq.s32 s10, $0x1;
	s10 =	sld [smem:$0x3FBA];
	_ =	sdelay $0x3  }
0x37: {  	[smem:$0x3FBA] =	sst s10  }
0x38: {  	s10 =	sld [smem:$0x3FBB]  }
0x39: {  	_ = 	snop;
	(pc) =	sbr.ind lr, $3  }
0x3a: {  	_ = 	snop  }
0x3b: {  	_ = 	snop  }
0x3c: {  	p2 =	seq.s32 s10, $0x1;
	s10 =	sld [smem:$0x3FBA]  }
0x3d: {  	_ =	shalt  }
0x3e: {  	_ =	shalt  }
0x3f: {  	_ =	shalt  }
0x40: {  	_ =	shalt  }
0x41: {  	_ =	shalt  }
0x42: {  	_ =	shalt  }
0x43: {  	_ =	shalt  }
0x44: {  	_ =	shalt  }
0x45: {  	_ =	shalt  }
0x46: {  	_ =	shalt  }
0x47: {  	_ =	shalt  }
0x48: {  	_ =	shalt  }
0x49: {  	_ =	shalt  }
0x4a: {  	_ =	shalt  }
0x4b: {  	_ =	shalt  }
0x4c: {  	_ =	shalt  }
0x4d: {  	_ =	shalt  }
0x4e: {  	_ =	shalt  }
0x4f: {  	_ =	shalt  }
0x50: {  	_ =	shalt  }
0x51: {  	_ =	shalt  }
0x52: {  	_ =	shalt  }
0x53: {  	_ =	shalt  }
0x54: {  	_ =	shalt  }
0x55: {  	_ =	shalt  }
0x56: {  	_ =	shalt  }
0x57: {  	_ =	shalt  }
0x58: {  	_ =	shalt  }
0x59: {  	_ =	shalt  }
0x5a: {  	_ =	shalt  }
0x5b: {  	_ =	shalt  }
0x5c: {  	_ =	shalt  }
0x5d: {  	_ =	shalt  }
0x5e: {  	_ =	shalt  }
0x5f: {  	_ =	shalt  }
0x60: {  	_ =	shalt  }
0x61: {  	_ =	shalt  }
0x62: {  	_ =	shalt  }
0x63: {  	_ =	shalt  }
0x64: {  	_ =	shalt  }
0x65: {  	_ =	shalt  }
0x66: {  	_ =	shalt  }
0x67: {  	_ =	shalt  }
0x68: {  	_ =	shalt  }
0x69: {  	_ =	shalt  }
0x6a: {  	_ =	shalt  }
0x6b: {  	_ =	shalt  }
0x6c: {  	_ =	shalt  }
0x6d: {  	_ =	shalt  }
0x6e: {  	_ =	shalt  }
0x6f: {  	_ =	shalt  }
0x70: {  	_ =	shalt  }
0x71: {  	_ =	shalt  }
0x72: {  	_ =	shalt  }
0x73: {  	_ =	shalt  }
0x74: {  	_ =	shalt  }
0x75: {  	_ =	shalt  }
0x76: {  	_ =	shalt  }
0x77: {  	_ =	shalt  }
0x78: {  	_ =	shalt  }
0x79: {  	_ =	shalt  }
0x7a: {  	_ =	shalt  }
0x7b: {  	_ =	shalt  }
0x7c: {  	_ =	shalt  }
0x7d: {  	_ =	shalt  }
0x7e: {  	_ =	shalt  }
0x7f: {  	_ =	shalt  }
0x80: {  	_ =	shalt  }
0x81: {  	_ =	shalt  }
0x82: {  	_ =	shalt  }
0x83: {  	_ =	shalt  }
0x84: {  	_ =	shalt  }
0x85: {  	_ =	shalt  }
0x86: {  	_ =	shalt  }
0x87: {  	_ =	shalt  }
.Lfunc_end0:
.L_simem_size_0:
called_computation_lowered:
.L_overlay_start_0:
0x88: {  	s2 =	sld [smem:$0x3FD9]  }
0x89: {  	s3 =	sld [smem:$0x3FFE];
	_ =	sdelay $0x1  }
0x8a: {  	s1 =	srdreg.scid  }
0x8b: {  	s0 =	sand.u32 $0x1, s1  }
0x8c: {  	s14 =	sshll.u32 s0, $0xA;
	s2 =	sadd.s32 s3, s2  }
0x8d: {  	s2 =	sadd.s32 s2, s14  }
0x8e: {  	[smem:$0x3FC6] =	sst s2  }
0x8f: {  	_ = 	snop  }
0x90: {  	s2 =	sld [smem:$0x3FD0];
	_ =	sdelay $0x2  }
0x91: {  	s15 =	simm.s32 $0xA;
	s4 =	simm.s32 $0x10  }
0x92: {  	[smem:s4], [sflag:s15] =	dma.local [hbm:s2], $0x1  }
0x93: {  	_ =	swait.eq [sflag:s15], $0x1  }
0x94: {  	[sflag:s15] =	ssyncset.done $0x0  }
0x95: {  	[sflag:s15] =	ssyncadd.s32 $0xFFFFFFFF  }
0x96: {  	s16 =	sld [smem:$0x10];
	(tm) =	ssettm $0x1  }
0x97: {  	s17 =	sld [smem:$0x3FFB];
	_ =	sdelay $0x3  }
0x98: {  	_ =	strace s17  }
0x99: {  	s3 =	sld [smem:$0x3FFC];
	_ =	sdelay $0x3  }
0x9a: {  	_ =	strace s3  }
0x9b: {  	s3 =	sld [smem:$0x3FFD];
	_ =	sdelay $0x3  }
0x9c: {  	_ =	strace s3  }
0x9d: {  	_ =	strace $0x8FFFFFFF  }
0x9e: {  	s18 =	sld [smem:$0x3FDB];
	_ =	sdelay $0x1  }
0x9f: {  	s19 =	simm.s32 $_scs_section_size  }
0xa0: {  	s5 =	simm.s32 $_size__tile_overlayer_lowered;
	s6 =	simm.s32 $_tile_overlayer_lowered  }
0xa1: {  	s22 =	simm.s32 $0x1BFF;
	s21 =	sshll.u32 s6, $0x1;
	s3 =	sadd.s32 s19, s18  }
0xa2: {  	s7 =	simm.s32 $0x0;
	s20 =	sshll.u32 s5, $0x1;
	s5 =	sadd.s32 s21, s3  }
0xa3: {  	[timem:s7], [sflag:s22] =	dma.local [hbm:s5], s20  }
0xa4: {  	_ =	swait.ge [sflag:s22], s20  }
0xa5: {  	s4 =	ssub.s32 $0x0, s20;
	[sflag:s22] =	ssyncset.done $0x0  }
0xa6: {  	[sflag:s22] =	ssyncadd.s32 s4;
	_ =	sdelay $0x1  }
0xa7: {  	s23 =	simm.s32 $0x1B8B  }
0xa8: {  	_ =	swait.ge [sflag:s23], $0x1  }
0xa9: {  	[sflag:s23] =	ssyncset.done $0x0  }
0xaa: {  	s25 =	simm.s32 $0x1B8E;
	s24 =	sld [smem:$0x3FFE];
	[sflag:s23] =	ssyncadd.s32 $0xFFFFFFFF  }
0xab: {  	s26 =	simm.s32 $execute0_lowered;
	[smem:$0x3FD2] =	sst s25  }
0xac: {  	s5 =	sshll.u32 s26, $0x1;
	_ =	strace $0x80000046;
	[dreg:$0x1] =	wrdreg $0xFFFFFFFF  }
0xad: {  	s28 =	simm.s32 $_size_execute0_lowered;
	s3 =	sadd.s32 s3, s5;
	[dreg:$0x0] =	wrdreg $0x0  }
0xae: {  	s5 =	sshll.u32 s28, $0x1;
	[dreg:$0x2] =	wrdreg s3  }
0xaf: {  	[dreg:$0x3] =	wrdreg s5  }
0xb0: {  	[dreg:$0x4] =	wrdreg $0xC0  }
0xb1: {  	_ =	task [dreg:s7], $0x5FFFF  }
0xb2: {  	[dreg:$0x1] =	wrdreg $0xFFFFFFFF  }
0xb3: {  	[dreg:$0x0] =	wrdreg $0x60  }
0xb4: {  	[dreg:$0x2] =	wrdreg s16  }
0xb5: {  	[dreg:$0x3] =	wrdreg s24  }
0xb6: {  	[dreg:$0x4] =	wrdreg $0x9  }
0xb7: {  	_ =	task.clear_ibuf [dreg:s7], $0x5FFFF;
	_ =	strace $0x90000046  }
0xb8: {  	s29 =	simm.s32 $0x9;
	_ =	strace $0x80000048  }
0xb9: {  	_ =	swait.ge [sflag:s29], $0x1  }
0xba: {  	[sflag:s29] =	ssyncadd.s32 $0xFFFFFFFF  }
0xbb: {  	_ =	strace $0x90000048  }
0xbc: {  	_ =	sfence  }
0xbd: {  	s30 =	sld [smem:$0x0];
	_ =	sdelay $0x2  }
0xbe: {  	s31 =	sshll.u32 s1, $0xD;
	s1 =	sshrl.u32 s1, $0x2  }
0xbf: {  	s3 =	sand.u32 $0x4000, s31;
	s1 =	sadd.s32 s1, s30  }
0xc0: {  	s0 =	sor.u32 s3, s0;
	s1 =	sshll.u32 s1, $0x11  }
0xc1: {  	s0 =	sor.u32 s1, s0  }
0xc2: {  	s0 =	sadd.s32 $0x8F2B, s0  }
0xc3: {  	[sflag:s0] =	ssyncadd.remote.s32 $0x1  }
0xc4: {  	_ =	sfence.sel $0xFFFF  }
0xc5: {  	[dreg:$0x0] =	wrdreg $0xFFFFFFFF;
	(pc) =	sbr.abs _section_cstart, $3  }
0xc6: {  	[dreg:$0x1] =	wrdreg $0xFFFFFFFF  }
0xc7: {  	_ =	task.clear_ibuf [dreg:s7], $0x2FFFF;
	_ =	strace $0x9FFFFFFF  }
0xc8: {  	(tm) =	ssettm $0x7FFFFFFF  }
0xc9: {  	_ =	shalt  }
tec
execute0_lowered:
.L_overlay_start_1:
0x0: {  	(tag) =	ssettag $0x1  }
0x1: {  	s1 =	srdreg.scid  }
0x2: {  	s0 =	stileid.u32;
	s2 =	rddreg [dreg:$0x0]  }
0x3: {  	s5 =	rddreg [dreg:$0x1];
	s19 =	simm.s32 $0x900;
	s20 =	simm.s32 $0x1100  }
0x4: {  	s21 =	simm.s32 $0x1900;
	s23 =	simm.s32 $0x2100;
	s24 =	simm.s32 $0x2900  }
0x5: {  	s25 =	simm.s32 $0x3100;
	s26 =	simm.s32 $0x3900;
	s8 =	simm.s32 $0x4900  }
0x6: {  	s9 =	simm.s32 $0x5100;
	s10 =	simm.s32 $0x5900;
	s11 =	simm.s32 $0x6100  }
0x7: {  	s12 =	simm.s32 $0x6900;
	s13 =	simm.s32 $0x7100;
	s1 =	sand.u32 $0x1, s1  }
0x8: {  	s14 =	simm.s32 $0x7900;
	s3 =	sshll.u32 s0, $0x9;
	s4 =	sshll.u32 s1, $0x8  }
0x9: {  	s15 =	simm.s32 $0x8100;
	s4 =	sor.u32 s4, s3;
	s3 =	simm.s32 $0x0  }
0xa: {  	s16 =	simm.s32 $0x8900;
	s17 =	simm.s32 $0x9100;
	[smem:$0x7FF] =	sst s3  }
0xb: {  	s28 =	simm.s32 $0xE100;
	_ =	strace $0x80000047;
	[dreg:$0x5] =	wrdreg s19  }
0xc: {  	s29 =	simm.s32 $0xE900;
	s30 =	simm.s32 $0xF100;
	[dreg:$0x6] =	wrdreg s20  }
0xd: {  	s31 =	simm.s32 $0xF900;
	s1 =	ssub.s32 $0x2, s1;
	[dreg:$0x7] =	wrdreg s21  }
0xe: {  	s22 =	sshrl.u32 s1, $0x1;
	s6 =	sshrl.u32 s4, $0x3;
	[dreg:$0x8] =	wrdreg s23  }
0xf: {  	s4 =	sshll.u32 s4, $0x5;
	s1 =	ssub.s32 s1, s22;
	[dreg:$0x9] =	wrdreg s24  }
0x10: {  	s22 =	simm.s32 $0xB900;
	s6 =	sadd.s32 s6, s5;
	[dreg:$0xa] =	wrdreg s25  }
0x11: {  	s4 =	sadd.s32 s4, s5;
	s5 =	simm.s32 $0x2;
	[dreg:$0xb] =	wrdreg s26  }
0x12: {  	s19 =	simm.s32 $0xA100;
	s20 =	simm.s32 $0xA900;
	s21 =	simm.s32 $0xB100  }
0x13: {  	s23 =	simm.s32 $0xC100;
	s24 =	simm.s32 $0xC900;
	s18 =	sadd.s32 $0x400, s6  }
0x14: {  	v2 =	vlaneseq.u32;
	s25 =	simm.s32 $0xD100;
	s4 =	sadd.s32 $0x800, s4;
	[dreg:$0x3] =	wrdreg s18  }
0x15: {  	vm0 =	vmmov $0xffff;
	v1 =	vshrl.u32 v2, $0x3;
	s26 =	simm.s32 $0xD900;
	s6 =	simm.s32 $0x100;
	[dreg:$0x4] =	wrdreg s4  }
0x16: {  	v0 =	vand.u32 $0x7, v2;
	v2 =	vor.u32 $0x8, v2;
	v1 =	vmul.u32 $0x8, v1;
	s4 =	smax.u32 s1, $0x1;
	s18 =	simm.s32 $0x9900;
	s1 =	simm.s32 $0x1  }
.LBB2_1:
0x17: {  	s0 =	rddreg [dreg:$0x3]  }
0x18: {  	[tilespmem:s3], [sflag:$0x2] =	stream.linear.gather [hbm4b:s0+s3], $0x100, $0x38;
	[tilespmem:$0x10100] =	vst v63  }
0x19: {  	_ =	swait.ge [sflag:s5], $0x100  }
0x1a: {  	[sflag:s5] =	ssyncset.done $0x0  }
0x1b: {  	[sflag:s5] =	ssyncadd.s32 $0xFFFFFF00  }
0x1c: {  	v3 =	vld [tilespmem:$0x0];
	_ =	sdelay $0x4  }
0x1d: {  	v4 =	vshll.u32 v3, $0x1  }
0x1e: {  	v3 =	vand.u32 $0x7, v3;
	v4 =	vand.u32 $0xFFFFFFF0, v4  }
0x1f: {  	v3 =	vor.u32 v3, v4  }
0x20: {  	v4 =	vperm.xlane v3, v0;
	_ =	sdelay $0x1  }
0x21: {  	v3 =	vperm.xlane v3, v2;
	v4 =	vadd.s32 v1, v4;
	_ =	sdelay $0x1  }
0x22: {  	v3 =	vadd.s32 v1, v3;
	_ =	sdelay $0x2  }
0x23: {  	[tilespmem:s6], [sflag:$0x1] =	stream.indirect_vreg.gather [hbm4b:s2+s3], $0x80, v4, vm0, $0xb8;
	[tilespmem:$0x10100] =	vst v63  }
0x24: {  	s7 =	rddreg [dreg:$0x5]  }
0x25: {  	[tilespmem:s7], [sflag:$0x1] =	stream.indirect_vreg.gather [hbm4b:s2+s3], $0x80, v3, vm0, $0xb8;
	[tilespmem:$0x10100] =	vst v63  }
0x26: {  	v3 =	vld [tilespmem:$0x10];
	_ =	sdelay $0x4  }
0x27: {  	v49 =	vshll.u32 v3, $0x1  }
0x28: {  	v3 =	vand.u32 $0x7, v3;
	v4 =	vand.u32 $0xFFFFFFF0, v49  }
0x29: {  	v3 =	vor.u32 v3, v4  }
0x2a: {  	v4 =	vperm.xlane v3, v0;
	_ =	sdelay $0x1  }
0x2b: {  	v3 =	vperm.xlane v3, v2;
	v4 =	vadd.s32 v1, v4;
	_ =	sdelay $0x1  }
0x2c: {  	v3 =	vadd.s32 v1, v3;
	_ =	sdelay $0x1  }
0x2d: {  	s0 =	rddreg [dreg:$0x6]  }
0x2e: {  	[tilespmem:s0], [sflag:$0x1] =	stream.indirect_vreg.gather [hbm4b:s2+s3], $0x80, v4, vm0, $0xb8;
	[tilespmem:$0x10100] =	vst v63  }
0x2f: {  	s7 =	rddreg [dreg:$0x7]  }
0x30: {  	[tilespmem:s7], [sflag:$0x1] =	stream.indirect_vreg.gather [hbm4b:s2+s3], $0x80, v3, vm0, $0xb8;
	[tilespmem:$0x10100] =	vst v63  }
0x31: {  	v3 =	vld [tilespmem:$0x20];
	_ =	sdelay $0x4  }
0x32: {  	v50 =	vshll.u32 v3, $0x1  }
0x33: {  	v3 =	vand.u32 $0x7, v3;
	v4 =	vand.u32 $0xFFFFFFF0, v50  }
0x34: {  	v3 =	vor.u32 v3, v4  }
0x35: {  	v4 =	vperm.xlane v3, v0;
	_ =	sdelay $0x1  }
0x36: {  	v3 =	vperm.xlane v3, v2;
	v4 =	vadd.s32 v1, v4;
	_ =	sdelay $0x1  }
0x37: {  	v3 =	vadd.s32 v1, v3;
	_ =	sdelay $0x1  }
0x38: {  	s0 =	rddreg [dreg:$0x8]  }
0x39: {  	[tilespmem:s0], [sflag:$0x1] =	stream.indirect_vreg.gather [hbm4b:s2+s3], $0x80, v4, vm0, $0xb8;
	[tilespmem:$0x10100] =	vst v63  }
0x3a: {  	s7 =	rddreg [dreg:$0x9]  }
0x3b: {  	[tilespmem:s7], [sflag:$0x1] =	stream.indirect_vreg.gather [hbm4b:s2+s3], $0x80, v3, vm0, $0xb8;
	[tilespmem:$0x10100] =	vst v63  }
0x3c: {  	v3 =	vld [tilespmem:$0x30];
	_ =	sdelay $0x4  }
0x3d: {  	v51 =	vshll.u32 v3, $0x1  }
0x3e: {  	v3 =	vand.u32 $0x7, v3;
	v4 =	vand.u32 $0xFFFFFFF0, v51  }
0x3f: {  	v3 =	vor.u32 v3, v4  }
0x40: {  	v4 =	vperm.xlane v3, v0;
	_ =	sdelay $0x1  }
0x41: {  	v3 =	vperm.xlane v3, v2;
	v4 =	vadd.s32 v1, v4;
	_ =	sdelay $0x1  }
0x42: {  	v3 =	vadd.s32 v1, v3;
	_ =	sdelay $0x1  }
0x43: {  	s0 =	rddreg [dreg:$0xa]  }
0x44: {  	[tilespmem:s0], [sflag:$0x1] =	stream.indirect_vreg.gather [hbm4b:s2+s3], $0x80, v4, vm0, $0xb8;
	[tilespmem:$0x10100] =	vst v63  }
0x45: {  	s7 =	rddreg [dreg:$0xb]  }
0x46: {  	[tilespmem:s7], [sflag:$0x1] =	stream.indirect_vreg.gather [hbm4b:s2+s3], $0x80, v3, vm0, $0xb8;
	[tilespmem:$0x10100] =	vst v63  }
0x47: {  	v3 =	vld [tilespmem:$0x40];
	_ =	sdelay $0x4  }
0x48: {  	v52 =	vshll.u32 v3, $0x1  }
0x49: {  	v3 =	vand.u32 $0x7, v3;
	v4 =	vand.u32 $0xFFFFFFF0, v52  }
0x4a: {  	v3 =	vor.u32 v3, v4  }
0x4b: {  	v4 =	vperm.xlane v3, v0;
	_ =	sdelay $0x1  }
0x4c: {  	v3 =	vperm.xlane v3, v2;
	v4 =	vadd.s32 v1, v4;
	_ =	sdelay $0x1  }
0x4d: {  	v3 =	vadd.s32 v1, v3;
	_ =	sdelay $0x1  }
0x4e: {  	s7 =	simm.s32 $0x4100  }
0x4f: {  	[tilespmem:s7], [sflag:$0x1] =	stream.indirect_vreg.gather [hbm4b:s2+s3], $0x80, v4, vm0, $0xb8;
	[tilespmem:$0x10100] =	vst v63  }
0x50: {  	_ = 	snop  }
0x51: {  	[tilespmem:s8], [sflag:$0x1] =	stream.indirect_vreg.gather [hbm4b:s2+s3], $0x80, v3, vm0, $0xb8;
	[tilespmem:$0x10100] =	vst v63  }
0x52: {  	v3 =	vld [tilespmem:$0x50];
	_ =	sdelay $0x4  }
0x53: {  	v53 =	vshll.u32 v3, $0x1  }
0x54: {  	v3 =	vand.u32 $0x7, v3;
	v4 =	vand.u32 $0xFFFFFFF0, v53  }
0x55: {  	v3 =	vor.u32 v3, v4  }
0x56: {  	v4 =	vperm.xlane v3, v0;
	_ =	sdelay $0x1  }
0x57: {  	v3 =	vperm.xlane v3, v2;
	v4 =	vadd.s32 v1, v4;
	_ =	sdelay $0x1  }
0x58: {  	v3 =	vadd.s32 v1, v3;
	_ =	sdelay $0x2  }
0x59: {  	[tilespmem:s9], [sflag:$0x1] =	stream.indirect_vreg.gather [hbm4b:s2+s3], $0x80, v4, vm0, $0xb8;
	[tilespmem:$0x10100] =	vst v63  }
0x5a: {  	_ = 	snop  }
0x5b: {  	[tilespmem:s10], [sflag:$0x1] =	stream.indirect_vreg.gather [hbm4b:s2+s3], $0x80, v3, vm0, $0xb8;
	[tilespmem:$0x10100] =	vst v63  }
0x5c: {  	v3 =	vld [tilespmem:$0x60];
	_ =	sdelay $0x4  }
0x5d: {  	v54 =	vshll.u32 v3, $0x1  }
0x5e: {  	v3 =	vand.u32 $0x7, v3;
	v4 =	vand.u32 $0xFFFFFFF0, v54  }
0x5f: {  	v3 =	vor.u32 v3, v4  }
0x60: {  	v4 =	vperm.xlane v3, v0;
	_ =	sdelay $0x1  }
0x61: {  	v3 =	vperm.xlane v3, v2;
	v4 =	vadd.s32 v1, v4;
	_ =	sdelay $0x1  }
0x62: {  	v3 =	vadd.s32 v1, v3;
	_ =	sdelay $0x2  }
0x63: {  	[tilespmem:s11], [sflag:$0x1] =	stream.indirect_vreg.gather [hbm4b:s2+s3], $0x80, v4, vm0, $0xb8;
	[tilespmem:$0x10100] =	vst v63  }
0x64: {  	_ = 	snop  }
0x65: {  	[tilespmem:s12], [sflag:$0x1] =	stream.indirect_vreg.gather [hbm4b:s2+s3], $0x80, v3, vm0, $0xb8;
	[tilespmem:$0x10100] =	vst v63  }
0x66: {  	v3 =	vld [tilespmem:$0x70];
	_ =	sdelay $0x4  }
0x67: {  	v55 =	vshll.u32 v3, $0x1  }
0x68: {  	v3 =	vand.u32 $0x7, v3;
	v4 =	vand.u32 $0xFFFFFFF0, v55  }
0x69: {  	v3 =	vor.u32 v3, v4  }
0x6a: {  	v4 =	vperm.xlane v3, v0;
	_ =	sdelay $0x1  }
0x6b: {  	v3 =	vperm.xlane v3, v2;
	v4 =	vadd.s32 v1, v4;
	_ =	sdelay $0x1  }
0x6c: {  	v3 =	vadd.s32 v1, v3;
	_ =	sdelay $0x2  }
0x6d: {  	[tilespmem:s13], [sflag:$0x1] =	stream.indirect_vreg.gather [hbm4b:s2+s3], $0x80, v4, vm0, $0xb8;
	[tilespmem:$0x10100] =	vst v63  }
0x6e: {  	_ = 	snop  }
0x6f: {  	[tilespmem:s14], [sflag:$0x1] =	stream.indirect_vreg.gather [hbm4b:s2+s3], $0x80, v3, vm0, $0xb8;
	[tilespmem:$0x10100] =	vst v63  }
0x70: {  	v3 =	vld [tilespmem:$0x80];
	_ =	sdelay $0x4  }
0x71: {  	v56 =	vshll.u32 v3, $0x1  }
0x72: {  	v3 =	vand.u32 $0x7, v3;
	v4 =	vand.u32 $0xFFFFFFF0, v56  }
0x73: {  	v3 =	vor.u32 v3, v4  }
0x74: {  	v4 =	vperm.xlane v3, v0;
	_ =	sdelay $0x1  }
0x75: {  	v3 =	vperm.xlane v3, v2;
	v4 =	vadd.s32 v1, v4;
	_ =	sdelay $0x1  }
0x76: {  	v3 =	vadd.s32 v1, v3;
	_ =	sdelay $0x2  }
0x77: {  	[tilespmem:s15], [sflag:$0x1] =	stream.indirect_vreg.gather [hbm4b:s2+s3], $0x80, v4, vm0, $0xb8;
	[tilespmem:$0x10100] =	vst v63  }
0x78: {  	_ = 	snop  }
0x79: {  	[tilespmem:s16], [sflag:$0x1] =	stream.indirect_vreg.gather [hbm4b:s2+s3], $0x80, v3, vm0, $0xb8;
	[tilespmem:$0x10100] =	vst v63  }
0x7a: {  	v3 =	vld [tilespmem:$0x90];
	_ =	sdelay $0x4  }
0x7b: {  	v57 =	vshll.u32 v3, $0x1  }
0x7c: {  	v3 =	vand.u32 $0x7, v3;
	v4 =	vand.u32 $0xFFFFFFF0, v57  }
0x7d: {  	v3 =	vor.u32 v3, v4  }
0x7e: {  	v4 =	vperm.xlane v3, v0;
	_ =	sdelay $0x1  }
0x7f: {  	v3 =	vperm.xlane v3, v2;
	v4 =	vadd.s32 v1, v4;
	_ =	sdelay $0x1  }
0x80: {  	v3 =	vadd.s32 v1, v3;
	_ =	sdelay $0x2  }
0x81: {  	[tilespmem:s17], [sflag:$0x1] =	stream.indirect_vreg.gather [hbm4b:s2+s3], $0x80, v4, vm0, $0xb8;
	[tilespmem:$0x10100] =	vst v63  }
0x82: {  	_ = 	snop  }
0x83: {  	[tilespmem:s18], [sflag:$0x1] =	stream.indirect_vreg.gather [hbm4b:s2+s3], $0x80, v3, vm0, $0xb8;
	[tilespmem:$0x10100] =	vst v63  }
0x84: {  	v3 =	vld [tilespmem:$0xA0];
	_ =	sdelay $0x4  }
0x85: {  	v58 =	vshll.u32 v3, $0x1  }
0x86: {  	v3 =	vand.u32 $0x7, v3;
	v4 =	vand.u32 $0xFFFFFFF0, v58  }
0x87: {  	v3 =	vor.u32 v3, v4  }
0x88: {  	v4 =	vperm.xlane v3, v0;
	_ =	sdelay $0x1  }
0x89: {  	v3 =	vperm.xlane v3, v2;
	v4 =	vadd.s32 v1, v4;
	_ =	sdelay $0x1  }
0x8a: {  	v3 =	vadd.s32 v1, v3;
	_ =	sdelay $0x2  }
0x8b: {  	[tilespmem:s19], [sflag:$0x1] =	stream.indirect_vreg.gather [hbm4b:s2+s3], $0x80, v4, vm0, $0xb8;
	[tilespmem:$0x10100] =	vst v63  }
0x8c: {  	_ = 	snop  }
0x8d: {  	[tilespmem:s20], [sflag:$0x1] =	stream.indirect_vreg.gather [hbm4b:s2+s3], $0x80, v3, vm0, $0xb8;
	[tilespmem:$0x10100] =	vst v63  }
0x8e: {  	v3 =	vld [tilespmem:$0xB0];
	_ =	sdelay $0x4  }
0x8f: {  	v59 =	vshll.u32 v3, $0x1  }
0x90: {  	v3 =	vand.u32 $0x7, v3;
	v4 =	vand.u32 $0xFFFFFFF0, v59  }
0x91: {  	v3 =	vor.u32 v3, v4  }
0x92: {  	v4 =	vperm.xlane v3, v0;
	_ =	sdelay $0x1  }
0x93: {  	v3 =	vperm.xlane v3, v2;
	v4 =	vadd.s32 v1, v4;
	_ =	sdelay $0x1  }
0x94: {  	v3 =	vadd.s32 v1, v3;
	_ =	sdelay $0x2  }
0x95: {  	[tilespmem:s21], [sflag:$0x1] =	stream.indirect_vreg.gather [hbm4b:s2+s3], $0x80, v4, vm0, $0xb8;
	[tilespmem:$0x10100] =	vst v63  }
0x96: {  	_ = 	snop  }
0x97: {  	[tilespmem:s22], [sflag:$0x1] =	stream.indirect_vreg.gather [hbm4b:s2+s3], $0x80, v3, vm0, $0xb8;
	[tilespmem:$0x10100] =	vst v63  }
0x98: {  	v3 =	vld [tilespmem:$0xC0];
	_ =	sdelay $0x4  }
0x99: {  	v60 =	vshll.u32 v3, $0x1  }
0x9a: {  	v3 =	vand.u32 $0x7, v3;
	v4 =	vand.u32 $0xFFFFFFF0, v60  }
0x9b: {  	v3 =	vor.u32 v3, v4  }
0x9c: {  	v4 =	vperm.xlane v3, v0;
	_ =	sdelay $0x1  }
0x9d: {  	v3 =	vperm.xlane v3, v2;
	v4 =	vadd.s32 v1, v4;
	_ =	sdelay $0x1  }
0x9e: {  	v3 =	vadd.s32 v1, v3;
	_ =	sdelay $0x2  }
0x9f: {  	[tilespmem:s23], [sflag:$0x1] =	stream.indirect_vreg.gather [hbm4b:s2+s3], $0x80, v4, vm0, $0xb8;
	[tilespmem:$0x10100] =	vst v63  }
0xa0: {  	_ = 	snop  }
0xa1: {  	[tilespmem:s24], [sflag:$0x1] =	stream.indirect_vreg.gather [hbm4b:s2+s3], $0x80, v3, vm0, $0xb8;
	[tilespmem:$0x10100] =	vst v63  }
0xa2: {  	v3 =	vld [tilespmem:$0xD0];
	_ =	sdelay $0x4  }
0xa3: {  	v61 =	vshll.u32 v3, $0x1  }
0xa4: {  	v3 =	vand.u32 $0x7, v3;
	v4 =	vand.u32 $0xFFFFFFF0, v61  }
0xa5: {  	v3 =	vor.u32 v3, v4  }
0xa6: {  	v4 =	vperm.xlane v3, v0;
	_ =	sdelay $0x1  }
0xa7: {  	v3 =	vperm.xlane v3, v2;
	v4 =	vadd.s32 v1, v4;
	_ =	sdelay $0x1  }
0xa8: {  	v3 =	vadd.s32 v1, v3;
	_ =	sdelay $0x2  }
0xa9: {  	[tilespmem:s25], [sflag:$0x1] =	stream.indirect_vreg.gather [hbm4b:s2+s3], $0x80, v4, vm0, $0xb8;
	[tilespmem:$0x10100] =	vst v63  }
0xaa: {  	_ = 	snop  }
0xab: {  	[tilespmem:s26], [sflag:$0x1] =	stream.indirect_vreg.gather [hbm4b:s2+s3], $0x80, v3, vm0, $0xb8;
	[tilespmem:$0x10100] =	vst v63  }
0xac: {  	v3 =	vld [tilespmem:$0xE0];
	_ =	sdelay $0x4  }
0xad: {  	v62 =	vshll.u32 v3, $0x1  }
0xae: {  	v3 =	vand.u32 $0x7, v3;
	v4 =	vand.u32 $0xFFFFFFF0, v62  }
0xaf: {  	v3 =	vor.u32 v3, v4  }
0xb0: {  	v4 =	vperm.xlane v3, v0;
	_ =	sdelay $0x1  }
0xb1: {  	v3 =	vperm.xlane v3, v2;
	v4 =	vadd.s32 v1, v4;
	_ =	sdelay $0x1  }
0xb2: {  	v3 =	vadd.s32 v1, v3;
	_ =	sdelay $0x2  }
0xb3: {  	[tilespmem:s28], [sflag:$0x1] =	stream.indirect_vreg.gather [hbm4b:s2+s3], $0x80, v4, vm0, $0xb8;
	[tilespmem:$0x10100] =	vst v63  }
0xb4: {  	_ = 	snop  }
0xb5: {  	[tilespmem:s29], [sflag:$0x1] =	stream.indirect_vreg.gather [hbm4b:s2+s3], $0x80, v3, vm0, $0xb8;
	[tilespmem:$0x10100] =	vst v63  }
0xb6: {  	v3 =	vld [tilespmem:$0xF0];
	_ =	sdelay $0x4  }
0xb7: {  	v63 =	vshll.u32 v3, $0x1  }
0xb8: {  	v3 =	vand.u32 $0x7, v3;
	v4 =	vand.u32 $0xFFFFFFF0, v63  }
0xb9: {  	v3 =	vor.u32 v3, v4  }
0xba: {  	v4 =	vperm.xlane v3, v0;
	_ =	sdelay $0x1  }
0xbb: {  	v3 =	vperm.xlane v3, v2;
	v4 =	vadd.s32 v1, v4;
	_ =	sdelay $0x1  }
0xbc: {  	v3 =	vadd.s32 v1, v3;
	_ =	sdelay $0x2  }
0xbd: {  	[tilespmem:s30], [sflag:$0x1] =	stream.indirect_vreg.gather [hbm4b:s2+s3], $0x80, v4, vm0, $0xb8;
	[tilespmem:$0x10100] =	vst v63  }
0xbe: {  	_ = 	snop  }
0xbf: {  	[tilespmem:s31], [sflag:$0x1] =	stream.indirect_vreg.gather [hbm4b:s2+s3], $0x80, v3, vm0, $0xb8;
	[tilespmem:$0x10100] =	vst v63  }
0xc0: {  	_ =	swait.ge [sflag:s1], $0x8000  }
0xc1: {  	[sflag:s1] =	ssyncset.done $0x0  }
0xc2: {  	[sflag:s1] =	ssyncadd.s32 $0xFFFF8000  }
0xc3: {  	_ =	swait.ge [sflag:s1], $0x8000  }
0xc4: {  	p0 =	sne.s32 s4, $0x1;
	[sflag:s1] =	ssyncset.done $0x0  }
.Ltmp0:
0xc5: {  	s7 =	rddreg [dreg:$0x4];
	[sflag:s1] =	ssyncadd.s32 $0xFFFF8000;
	(pc) =	sbr.rel @p0 .LBB2_1-.Ltmp0, $4  }
0xc6: {  	[hbm4b:s7+s3] =	stream.linear.scatter [tilespmem:s6], [sflag:$0x2], $0x10000, $0x38;
	[tilespmem:$0x10100] =	vst v63  }
0xc7: {  	_ =	swait.ge [sflag:s5], $0x10000  }
0xc8: {  	[sflag:s5] =	ssyncset.done $0x0  }
0xc9: {  	s4 =	sadd.s32 $0xFFFFFFFF, s4;
	[sflag:s5] =	ssyncadd.s32 $0xFFFF0000  }
0xca: {  	_ =	sfence.sel $0x180000  }
0xcb: {  	[bflag:$0x0] =	sbarrier.arrive $0xFFFF  }
0xcc: {  	_ =	strace $0x90000047  }
0xcd: {  	s0 =	stileid.u32;
	[bflag:$0x2] =	sbarrier.arrive $0xFFFF  }
0xce: {  	p0 =	sne.s32 s0, $0x0;
	s0 =	rddreg [dreg:$0x2]  }
0xcf: {  	s0 =	sadd.s32 @!p0 $0x100000, s0  }
0xd0: {  	[sflag:s0] =	ssyncadd.tile.s32 @!p0 $0x1;
	_ =	shalt  }
.Lfunc_end2:
_tile_overlayer_lowered:
.L_overlay_start_2:
0xd1: {  	(tag) =	ssettag $0x2  }
0xd2: {  	s0 =	rddreg [dreg:$0x0];
	s2 =	stileid.u32  }
0xd3: {  	s1 =	rddreg [dreg:$0x1];
	p0 =	sne.s32 s2, $0x0  }
0xd4: {  	s3 =	rddreg [dreg:$0x2];
	[bflag:$0x3] =	sbarrier.arrive $0xFFFF;
	s2 =	simm.s32 @!p0 $0x1C02  }
0xd5: {  	[timem:s3], [sflag:s2] =	dma.local @!p0 [hbm:s0], s1  }
0xd6: {  	s0 =	simm.s32 @!p0 $0x2  }
0xd7: {  	_ =	swait.ge @!p0 [sflag:s0], s1  }
0xd8: {  	s1 =	ssub.s32 @!p0 $0x0, s1;
	[sflag:s0] =	ssyncset.done @!p0 $0x0  }
0xd9: {  	[sflag:s0] =	ssyncadd.s32 @!p0 s1  }
0xda: {  	[bflag:$0x3] =	sbarrier.arrive $0xFFFF  }
0xdb: {  	_ =	shalt  }

</sc_bundles>
